<compile_context>
chip_gen: v7x
topology: tpu7x:2x2x1
jax: 0.10.2.dev20260603
libtpu: 0.0.44.dev20260713+nightly
codegen_flags: <defaults>
</compile_context>

<pallas_src>
import functools

import jax
import jax.numpy as jnp
from jax import lax
from jax.experimental import pallas as pl
from jax.experimental.pallas import tpu as pltpu
from jax.experimental.pallas import tpu_sc as plsc

_N = 10000
_D = 128
_E = 320000
_NC, _NS = 2, 16
_CH = 128
_NCHUNK = 160
_EPT = _NCHUNK * _CH
_EPAD = _NS * _EPT
_HN = _N // 2
_ACC = 5120
_RPT = _ACC // _NS


def _mm_body(x_ref, w_ref, o_ref):
    o_ref[...] = jnp.dot(x_ref[...], w_ref[...],
                         preferred_element_type=jnp.float32)


def _matmul(x, W):
    blk = _N // 10
    return pl.pallas_call(
        _mm_body,
        grid=(10,),
        in_specs=[
            pl.BlockSpec((blk, _D), lambda i: (i, 0)),
            pl.BlockSpec((_D, _D), lambda i: (0, 0)),
        ],
        out_specs=pl.BlockSpec((blk, _D), lambda i: (i, 0)),
        out_shape=jax.ShapeDtypeStruct((_N, _D), jnp.float32),
    )(x, W)


_mesh = plsc.VectorSubcoreMesh(core_axis_name="c", subcore_axis_name="s")


@functools.partial(
    pl.kernel,
    mesh=_mesh,
    out_type=jax.ShapeDtypeStruct((_NC, _ACC, _D), jnp.float32),
    scratch_types=[
        pltpu.VMEM((_NCHUNK, _CH), jnp.int32),
        pltpu.VMEM((_NCHUNK, _CH), jnp.int32),
        pltpu.VMEM((_CH, _D), jnp.float32),
        pltpu.VMEM((_CH, _D), jnp.float32),
        pltpu.VMEM_SHARED((_ACC, _D), jnp.float32),
        pltpu.SemaphoreType.DMA,
        pltpu.SemaphoreType.DMA,
    ],
)
def _sc_segsum(h_hbm, src_hbm, dst_hbm, out_hbm,
               src_v, dst_v, buf0, buf1, acc, sem0, sem1):
    c = lax.axis_index("c")
    s = lax.axis_index("s")

    pltpu.sync_copy(src_hbm.at[s], src_v)
    pltpu.sync_copy(dst_hbm.at[s], dst_v)

    base = c * _HN

    def _rbody(i, carry):
        for k in range(_D // 16):
            d = dst_v[i, pl.ds(k * 16, 16)] - base
            ok = (d >= 0) & (d < _HN)
            dst_v[i, pl.ds(k * 16, 16)] = jnp.where(ok, d, _HN)
        return carry
    lax.fori_loop(0, _NCHUNK, _rbody, 0)

    def _zbody(i, carry):
        for k in range(_D // 16):
            buf0[i, pl.ds(k * 16, 16)] = jnp.zeros((16,), jnp.float32)
        return carry
    lax.fori_loop(0, _CH, _zbody, 0)
    for k in range((_RPT + _CH - 1) // _CH):
        nrow = min(_CH, _RPT - k * _CH)
        pltpu.sync_copy(buf0.at[pl.ds(0, nrow)],
                        acc.at[pl.ds(s * _RPT + k * _CH, nrow)])
    plsc.subcore_barrier()

    def _body(jp, carry):
        j = jp * 2
        pltpu.make_async_copy(h_hbm.at[src_v.at[j]], buf0, sem0).wait()
        pltpu.async_copy(h_hbm.at[src_v.at[j + 1]], buf1, sem1)
        pltpu.sync_copy(buf0, acc.at[dst_v.at[j]], add=True)
        pltpu.make_async_copy(h_hbm.at[src_v.at[j + 1]], buf1, sem1).wait()
        jn = lax.rem(j + 2, _NCHUNK)
        pltpu.async_copy(h_hbm.at[src_v.at[jn]], buf0, sem0)
        pltpu.sync_copy(buf1, acc.at[dst_v.at[j + 1]], add=True)
        return carry

    pltpu.async_copy(h_hbm.at[src_v.at[0]], buf0, sem0)
    lax.fori_loop(0, _NCHUNK // 2, _body, 0)
    pltpu.make_async_copy(h_hbm.at[src_v.at[0]], buf0, sem0).wait()

    plsc.subcore_barrier()
    pltpu.sync_copy(acc.at[pl.ds(s * _RPT, _RPT)],
                    out_hbm.at[c, pl.ds(s * _RPT, _RPT)])


def _comb_body(p_ref, b_ref, o_ref):
    o_ref[...] = jnp.maximum(p_ref[0] + b_ref[...], 0.0)


def _combine(p, b):
    blk = _N // 10
    nb = _HN // blk
    return pl.pallas_call(
        _comb_body,
        grid=(10,),
        in_specs=[
            pl.BlockSpec((1, blk, _D), lambda i: (i // nb, i % nb, 0)),
            pl.BlockSpec((1, _D), lambda i: (0, 0)),
        ],
        out_specs=pl.BlockSpec((blk, _D), lambda i: (i, 0)),
        out_shape=jax.ShapeDtypeStruct((_N, _D), jnp.float32),
    )(p, b.reshape(1, _D))


def kernel(x, adj_t, W, b):
    h = _matmul(x, W)
    src = adj_t[0]
    dst = adj_t[1]
    pad = _EPAD - _E
    srcp = jnp.concatenate([src, jnp.zeros((pad,), jnp.int32)])
    dstp = jnp.concatenate([dst, jnp.full((pad,), _N, jnp.int32)])
    srcp = srcp.reshape(_NS, _NCHUNK, _CH)
    dstp = dstp.reshape(_NS, _NCHUNK, _CH)
    p = _sc_segsum(h, srcp, dstp)
    return _combine(p, b)

# --- scband reference (transcript-rebuilt; emitter-appended) ---
"""Pipeline reference for scband-indi-gcn-pr-1623497638160 (READ-ONLY COPY).

The authoritative reference and input builder live on the scoring server;
editing this copy changes nothing except your own understanding.
"""

import jax, jax.numpy as jnp
import numpy as np

N_NODES = 10000
N_EDGES = 320000
D_IN = 128
D_HID = 128

def setup_inputs(seed: int = 0) -> dict:
    key = jax.random.key(seed)
    k1, k2, k3, k4 = jax.random.split(key, 4)
    x = jax.random.normal(k1, (N_NODES, D_IN), dtype=jnp.float32)
    edge_index = jax.random.randint(k2, (2, N_EDGES), 0, N_NODES, dtype=jnp.int32)
    # GCNConv linear weight (glorot-style init) and bias
    W = jax.random.normal(k3, (D_IN, D_HID), dtype=jnp.float32) * (1.0 / np.sqrt(D_IN))
    b = jnp.zeros((D_HID,), dtype=jnp.float32)
    return {"x": x, "adj_t": edge_index, "W": W, "b": b}

def reference(x, adj_t, W, b):
    # Only convs[:-1] run in forward; with num_layers=3 that is one GCNConv
    # GCNConv(normalize=False): h = x @ W; out[dst] += h[src]; out += b
    h = x @ W
    src = adj_t[0]
    dst = adj_t[1]
    msgs = jnp.take(h, src, axis=0)
    agg = jax.ops.segment_sum(msgs, dst, num_segments=N_NODES)
    out = agg + b
    out = jax.nn.relu(out)
    # F.dropout in eval mode is identity
    return out

if __name__ == "__main__":
    import jax
    _d = setup_inputs()
    print(jax.jit(kernel)(*tuple(_d.values())))

</pallas_src>

<mosaic_0001>
#map = affine_map<(d0, d1) -> (0, 0)>
#map1 = affine_map<(d0, d1) -> (0, 0, 0)>
module attributes {stable_mosaic.version = 14 : i64} {
  func.func @_sc_segsum(%arg0: i32, %arg1: i32, %arg2: memref<10000x128xf32, #tpu.memory_space<hbm>>, %arg3: memref<16x160x128xi32, #tpu.memory_space<hbm>>, %arg4: memref<16x160x128xi32, #tpu.memory_space<hbm>>, %arg5: memref<2x5120x128xf32, #tpu.memory_space<hbm>>, %arg6: memref<160x128xi32, #tpu.memory_space<vmem>>, %arg7: memref<160x128xi32, #tpu.memory_space<vmem>>, %arg8: memref<128x128xf32, #tpu.memory_space<vmem>>, %arg9: memref<128x128xf32, #tpu.memory_space<vmem>>, %arg10: memref<5120x128xf32, #tpu.memory_space<vmem_shared>>, %arg11: memref<!tpu.dma_semaphore, #tpu.memory_space<semaphore_mem>>, %arg12: memref<!tpu.dma_semaphore, #tpu.memory_space<semaphore_mem>>) attributes {dimension_semantics = [#tpu.dimension_semantics<core_parallel>, #tpu.dimension_semantics<subcore_parallel>], iteration_bounds = array<i64: 2, 16>, scalar_prefetch = 0 : i64, scratch_operands = 7 : i64, tpu.core_type = #tpu.core_type<sc_vector_subcore>, window_params = [{transform_indices = #map}, {transform_indices = #map1}, {transform_indices = #map1}, {transform_indices = #map1}]} {
    "tpu.region"() ({
      %run_scoped3A = tpu.sem_alloc : memref<!tpu.dma_semaphore, #tpu.memory_space<semaphore_mem>>
      %dma_start3A_46 = arith.constant 0 : i32
      %dma_start3A_47 = arith.constant 0 : i32
      %dma_start3A_48 = tpu.memref_slice %arg3[%arg1, %dma_start3A_46, %dma_start3A_47] : memref<16x160x128xi32, #tpu.memory_space<hbm>> -> memref<1x160x128xi32, #tpu.memory_space<hbm>>
      %dma_start3A_49 = tpu.memref_squeeze %dma_start3A_48 : memref<1x160x128xi32, #tpu.memory_space<hbm>> -> memref<160x128xi32, #tpu.memory_space<hbm>>
      %dma_start3A_50 = arith.constant 0 : i32
      %dma_start3A_51 = arith.constant 0 : i32
      %dma_start3A_52 = tpu.memref_slice %arg3[%arg1, %dma_start3A_50, %dma_start3A_51] : memref<16x160x128xi32, #tpu.memory_space<hbm>> -> memref<1x160x128xi32, #tpu.memory_space<hbm>>
      %dma_start3A_53 = tpu.memref_squeeze %dma_start3A_52 : memref<1x160x128xi32, #tpu.memory_space<hbm>> -> memref<160x128xi32, #tpu.memory_space<hbm>>
      tpu.enqueue_dma source(%dma_start3A_53 : memref<160x128xi32, #tpu.memory_space<hbm>>) target(%arg6 : memref<160x128xi32, #tpu.memory_space<vmem>>) target_semaphore(%run_scoped3A : memref<!tpu.dma_semaphore, #tpu.memory_space<semaphore_mem>>)
      %dma_wait3A_54 = arith.constant 0 : i32
      %dma_wait3A_55 = arith.constant 0 : i32
      %dma_wait3A_56 = tpu.memref_slice %arg3[%arg1, %dma_wait3A_54, %dma_wait3A_55] : memref<16x160x128xi32, #tpu.memory_space<hbm>> -> memref<1x160x128xi32, #tpu.memory_space<hbm>>
      %dma_wait3A_57 = tpu.memref_squeeze %dma_wait3A_56 : memref<1x160x128xi32, #tpu.memory_space<hbm>> -> memref<160x128xi32, #tpu.memory_space<hbm>>
      %dma_wait3A_58 = arith.constant 0 : i32
      %dma_wait3A_59 = arith.constant 0 : i32
      %dma_wait3A_60 = tpu.memref_slice %arg3[%arg1, %dma_wait3A_58, %dma_wait3A_59] : memref<16x160x128xi32, #tpu.memory_space<hbm>> -> memref<1x160x128xi32, #tpu.memory_space<hbm>>
      %dma_wait3A_61 = tpu.memref_squeeze %dma_wait3A_60 : memref<1x160x128xi32, #tpu.memory_space<hbm>> -> memref<160x128xi32, #tpu.memory_space<hbm>>
      tpu.wait_dma2 semaphore(%run_scoped3A : memref<!tpu.dma_semaphore, #tpu.memory_space<semaphore_mem>>) src(%dma_wait3A_61 : memref<160x128xi32, #tpu.memory_space<hbm>>) dst(%arg6 : memref<160x128xi32, #tpu.memory_space<vmem>>)
      tpu.yield
    }) : () -> ()
    "tpu.region"() ({
      %run_scoped3A = tpu.sem_alloc : memref<!tpu.dma_semaphore, #tpu.memory_space<semaphore_mem>>
      %dma_start3A_46 = arith.constant 0 : i32
      %dma_start3A_47 = arith.constant 0 : i32
      %dma_start3A_48 = tpu.memref_slice %arg4[%arg1, %dma_start3A_46, %dma_start3A_47] : memref<16x160x128xi32, #tpu.memory_space<hbm>> -> memref<1x160x128xi32, #tpu.memory_space<hbm>>
      %dma_start3A_49 = tpu.memref_squeeze %dma_start3A_48 : memref<1x160x128xi32, #tpu.memory_space<hbm>> -> memref<160x128xi32, #tpu.memory_space<hbm>>
      %dma_start3A_50 = arith.constant 0 : i32
      %dma_start3A_51 = arith.constant 0 : i32
      %dma_start3A_52 = tpu.memref_slice %arg4[%arg1, %dma_start3A_50, %dma_start3A_51] : memref<16x160x128xi32, #tpu.memory_space<hbm>> -> memref<1x160x128xi32, #tpu.memory_space<hbm>>
      %dma_start3A_53 = tpu.memref_squeeze %dma_start3A_52 : memref<1x160x128xi32, #tpu.memory_space<hbm>> -> memref<160x128xi32, #tpu.memory_space<hbm>>
      tpu.enqueue_dma source(%dma_start3A_53 : memref<160x128xi32, #tpu.memory_space<hbm>>) target(%arg7 : memref<160x128xi32, #tpu.memory_space<vmem>>) target_semaphore(%run_scoped3A : memref<!tpu.dma_semaphore, #tpu.memory_space<semaphore_mem>>)
      %dma_wait3A_54 = arith.constant 0 : i32
      %dma_wait3A_55 = arith.constant 0 : i32
      %dma_wait3A_56 = tpu.memref_slice %arg4[%arg1, %dma_wait3A_54, %dma_wait3A_55] : memref<16x160x128xi32, #tpu.memory_space<hbm>> -> memref<1x160x128xi32, #tpu.memory_space<hbm>>
      %dma_wait3A_57 = tpu.memref_squeeze %dma_wait3A_56 : memref<1x160x128xi32, #tpu.memory_space<hbm>> -> memref<160x128xi32, #tpu.memory_space<hbm>>
      %dma_wait3A_58 = arith.constant 0 : i32
      %dma_wait3A_59 = arith.constant 0 : i32
      %dma_wait3A_60 = tpu.memref_slice %arg4[%arg1, %dma_wait3A_58, %dma_wait3A_59] : memref<16x160x128xi32, #tpu.memory_space<hbm>> -> memref<1x160x128xi32, #tpu.memory_space<hbm>>
      %dma_wait3A_61 = tpu.memref_squeeze %dma_wait3A_60 : memref<1x160x128xi32, #tpu.memory_space<hbm>> -> memref<160x128xi32, #tpu.memory_space<hbm>>
      tpu.wait_dma2 semaphore(%run_scoped3A : memref<!tpu.dma_semaphore, #tpu.memory_space<semaphore_mem>>) src(%dma_wait3A_61 : memref<160x128xi32, #tpu.memory_space<hbm>>) dst(%arg7 : memref<160x128xi32, #tpu.memory_space<vmem>>)
      tpu.yield
    }) : () -> ()
    %mul3A = arith.constant 5000 : i32
    %mul3A_0 = arith.muli %arg0, %mul3A : i32
    %scan3A = arith.constant 0 : i32
    %scan3A_1 = arith.constant 0 : i32
    %scan3A_2 = arith.constant 160 : i32
    %scan3A_3 = arith.addi %scan3A_1, %scan3A_2 : i32
    %scan3A_4 = arith.constant 1 : i32
    scf.for %scan3A_46 = %scan3A_1 to %scan3A_3 step %scan3A_4  : i32 {
      %get3A = arith.index_cast %scan3A_46 : i32 to index
      %get3A_47 = arith.constant 0 : index
      %get3A_48 = tpu.vector_load %arg7[%get3A, %get3A_47] {strides = array<i32>} : memref<160x128xi32, #tpu.memory_space<vmem>>, vector<1x16xi32>,
      %get3A_49 = vector.shape_cast %get3A_48 : vector<1x16xi32> to vector<16xi32>
      %sub3A = vector.broadcast %mul3A_0 : i32 to vector<16xi32>
      %sub3A_50 = arith.subi %get3A_49, %sub3A : vector<16xi32>
      %ge3A = arith.constant 0 : i32
      %ge3A_51 = vector.broadcast %ge3A : i32 to vector<16xi32>
      %ge3A_52 = arith.cmpi sge, %sub3A_50, %ge3A_51 : vector<16xi32>
      %lt3A = arith.constant 5000 : i32
      %lt3A_53 = vector.broadcast %lt3A : i32 to vector<16xi32>
      %lt3A_54 = arith.cmpi slt, %sub3A_50, %lt3A_53 : vector<16xi32>
      %and3A = arith.andi %ge3A_52, %lt3A_54 : vector<16xi1>
      %jit3A = arith.constant 5000 : i32
      %broadcast_in_dim3A = vector.broadcast %jit3A : i32 to vector<16xi32>
      %select_n3A = arith.select %and3A, %sub3A_50, %broadcast_in_dim3A : vector<16xi1>, vector<16xi32>
      %swap3A = arith.index_cast %scan3A_46 : i32 to index
      %swap3A_55 = arith.constant 0 : index
      %swap3A_56 = tpu.vector_load %arg7[%swap3A, %swap3A_55] {strides = array<i32>} : memref<160x128xi32, #tpu.memory_space<vmem>>, vector<1x16xi32>,
      %swap3A_57 = vector.shape_cast %swap3A_56 : vector<1x16xi32> to vector<16xi32>
      %swap3A_58 = vector.shape_cast %select_n3A : vector<16xi32> to vector<1x16xi32>
      tpu.vector_store %arg7[%swap3A, %swap3A_55], %swap3A_58 {strides = array<i32>} : memref<160x128xi32, #tpu.memory_space<vmem>>, vector<1x16xi32>,
      %get3A_59 = arith.index_cast %scan3A_46 : i32 to index
      %get3A_60 = arith.constant 16 : index
      %get3A_61 = tpu.vector_load %arg7[%get3A_59, %get3A_60] {strides = array<i32>} : memref<160x128xi32, #tpu.memory_space<vmem>>, vector<1x16xi32>,
      %get3A_62 = vector.shape_cast %get3A_61 : vector<1x16xi32> to vector<16xi32>
      %sub3A_63 = vector.broadcast %mul3A_0 : i32 to vector<16xi32>
      %sub3A_64 = arith.subi %get3A_62, %sub3A_63 : vector<16xi32>
      %ge3A_65 = arith.constant 0 : i32
      %ge3A_66 = vector.broadcast %ge3A_65 : i32 to vector<16xi32>
      %ge3A_67 = arith.cmpi sge, %sub3A_64, %ge3A_66 : vector<16xi32>
      %lt3A_68 = arith.constant 5000 : i32
      %lt3A_69 = vector.broadcast %lt3A_68 : i32 to vector<16xi32>
      %lt3A_70 = arith.cmpi slt, %sub3A_64, %lt3A_69 : vector<16xi32>
      %and3A_71 = arith.andi %ge3A_67, %lt3A_70 : vector<16xi1>
      %jit3A_72 = arith.constant 5000 : i32
      %broadcast_in_dim3A_73 = vector.broadcast %jit3A_72 : i32 to vector<16xi32>
      %select_n3A_74 = arith.select %and3A_71, %sub3A_64, %broadcast_in_dim3A_73 : vector<16xi1>, vector<16xi32>
      %swap3A_75 = arith.index_cast %scan3A_46 : i32 to index
      %swap3A_76 = arith.constant 16 : index
      %swap3A_77 = tpu.vector_load %arg7[%swap3A_75, %swap3A_76] {strides = array<i32>} : memref<160x128xi32, #tpu.memory_space<vmem>>, vector<1x16xi32>,
      %swap3A_78 = vector.shape_cast %swap3A_77 : vector<1x16xi32> to vector<16xi32>
      %swap3A_79 = vector.shape_cast %select_n3A_74 : vector<16xi32> to vector<1x16xi32>
      tpu.vector_store %arg7[%swap3A_75, %swap3A_76], %swap3A_79 {strides = array<i32>} : memref<160x128xi32, #tpu.memory_space<vmem>>, vector<1x16xi32>,
      %get3A_80 = arith.index_cast %scan3A_46 : i32 to index
      %get3A_81 = arith.constant 32 : index
      %get3A_82 = tpu.vector_load %arg7[%get3A_80, %get3A_81] {strides = array<i32>} : memref<160x128xi32, #tpu.memory_space<vmem>>, vector<1x16xi32>,
      %get3A_83 = vector.shape_cast %get3A_82 : vector<1x16xi32> to vector<16xi32>
      %sub3A_84 = vector.broadcast %mul3A_0 : i32 to vector<16xi32>
      %sub3A_85 = arith.subi %get3A_83, %sub3A_84 : vector<16xi32>
      %ge3A_86 = arith.constant 0 : i32
      %ge3A_87 = vector.broadcast %ge3A_86 : i32 to vector<16xi32>
      %ge3A_88 = arith.cmpi sge, %sub3A_85, %ge3A_87 : vector<16xi32>
      %lt3A_89 = arith.constant 5000 : i32
      %lt3A_90 = vector.broadcast %lt3A_89 : i32 to vector<16xi32>
      %lt3A_91 = arith.cmpi slt, %sub3A_85, %lt3A_90 : vector<16xi32>
      %and3A_92 = arith.andi %ge3A_88, %lt3A_91 : vector<16xi1>
      %jit3A_93 = arith.constant 5000 : i32
      %broadcast_in_dim3A_94 = vector.broadcast %jit3A_93 : i32 to vector<16xi32>
      %select_n3A_95 = arith.select %and3A_92, %sub3A_85, %broadcast_in_dim3A_94 : vector<16xi1>, vector<16xi32>
      %swap3A_96 = arith.index_cast %scan3A_46 : i32 to index
      %swap3A_97 = arith.constant 32 : index
      %swap3A_98 = tpu.vector_load %arg7[%swap3A_96, %swap3A_97] {strides = array<i32>} : memref<160x128xi32, #tpu.memory_space<vmem>>, vector<1x16xi32>,
      %swap3A_99 = vector.shape_cast %swap3A_98 : vector<1x16xi32> to vector<16xi32>
      %swap3A_100 = vector.shape_cast %select_n3A_95 : vector<16xi32> to vector<1x16xi32>
      tpu.vector_store %arg7[%swap3A_96, %swap3A_97], %swap3A_100 {strides = array<i32>} : memref<160x128xi32, #tpu.memory_space<vmem>>, vector<1x16xi32>,
      %get3A_101 = arith.index_cast %scan3A_46 : i32 to index
      %get3A_102 = arith.constant 48 : index
      %get3A_103 = tpu.vector_load %arg7[%get3A_101, %get3A_102] {strides = array<i32>} : memref<160x128xi32, #tpu.memory_space<vmem>>, vector<1x16xi32>,
      %get3A_104 = vector.shape_cast %get3A_103 : vector<1x16xi32> to vector<16xi32>
      %sub3A_105 = vector.broadcast %mul3A_0 : i32 to vector<16xi32>
      %sub3A_106 = arith.subi %get3A_104, %sub3A_105 : vector<16xi32>
      %ge3A_107 = arith.constant 0 : i32
      %ge3A_108 = vector.broadcast %ge3A_107 : i32 to vector<16xi32>
      %ge3A_109 = arith.cmpi sge, %sub3A_106, %ge3A_108 : vector<16xi32>
      %lt3A_110 = arith.constant 5000 : i32
      %lt3A_111 = vector.broadcast %lt3A_110 : i32 to vector<16xi32>
      %lt3A_112 = arith.cmpi slt, %sub3A_106, %lt3A_111 : vector<16xi32>
      %and3A_113 = arith.andi %ge3A_109, %lt3A_112 : vector<16xi1>
      %jit3A_114 = arith.constant 5000 : i32
      %broadcast_in_dim3A_115 = vector.broadcast %jit3A_114 : i32 to vector<16xi32>
      %select_n3A_116 = arith.select %and3A_113, %sub3A_106, %broadcast_in_dim3A_115 : vector<16xi1>, vector<16xi32>
      %swap3A_117 = arith.index_cast %scan3A_46 : i32 to index
      %swap3A_118 = arith.constant 48 : index
      %swap3A_119 = tpu.vector_load %arg7[%swap3A_117, %swap3A_118] {strides = array<i32>} : memref<160x128xi32, #tpu.memory_space<vmem>>, vector<1x16xi32>,
      %swap3A_120 = vector.shape_cast %swap3A_119 : vector<1x16xi32> to vector<16xi32>
      %swap3A_121 = vector.shape_cast %select_n3A_116 : vector<16xi32> to vector<1x16xi32>
      tpu.vector_store %arg7[%swap3A_117, %swap3A_118], %swap3A_121 {strides = array<i32>} : memref<160x128xi32, #tpu.memory_space<vmem>>, vector<1x16xi32>,
      %get3A_122 = arith.index_cast %scan3A_46 : i32 to index
      %get3A_123 = arith.constant 64 : index
      %get3A_124 = tpu.vector_load %arg7[%get3A_122, %get3A_123] {strides = array<i32>} : memref<160x128xi32, #tpu.memory_space<vmem>>, vector<1x16xi32>,
      %get3A_125 = vector.shape_cast %get3A_124 : vector<1x16xi32> to vector<16xi32>
      %sub3A_126 = vector.broadcast %mul3A_0 : i32 to vector<16xi32>
      %sub3A_127 = arith.subi %get3A_125, %sub3A_126 : vector<16xi32>
      %ge3A_128 = arith.constant 0 : i32
      %ge3A_129 = vector.broadcast %ge3A_128 : i32 to vector<16xi32>
      %ge3A_130 = arith.cmpi sge, %sub3A_127, %ge3A_129 : vector<16xi32>
      %lt3A_131 = arith.constant 5000 : i32
      %lt3A_132 = vector.broadcast %lt3A_131 : i32 to vector<16xi32>
      %lt3A_133 = arith.cmpi slt, %sub3A_127, %lt3A_132 : vector<16xi32>
      %and3A_134 = arith.andi %ge3A_130, %lt3A_133 : vector<16xi1>
      %jit3A_135 = arith.constant 5000 : i32
      %broadcast_in_dim3A_136 = vector.broadcast %jit3A_135 : i32 to vector<16xi32>
      %select_n3A_137 = arith.select %and3A_134, %sub3A_127, %broadcast_in_dim3A_136 : vector<16xi1>, vector<16xi32>
      %swap3A_138 = arith.index_cast %scan3A_46 : i32 to index
      %swap3A_139 = arith.constant 64 : index
      %swap3A_140 = tpu.vector_load %arg7[%swap3A_138, %swap3A_139] {strides = array<i32>} : memref<160x128xi32, #tpu.memory_space<vmem>>, vector<1x16xi32>,
      %swap3A_141 = vector.shape_cast %swap3A_140 : vector<1x16xi32> to vector<16xi32>
      %swap3A_142 = vector.shape_cast %select_n3A_137 : vector<16xi32> to vector<1x16xi32>
      tpu.vector_store %arg7[%swap3A_138, %swap3A_139], %swap3A_142 {strides = array<i32>} : memref<160x128xi32, #tpu.memory_space<vmem>>, vector<1x16xi32>,
      %get3A_143 = arith.index_cast %scan3A_46 : i32 to index
      %get3A_144 = arith.constant 80 : index
      %get3A_145 = tpu.vector_load %arg7[%get3A_143, %get3A_144] {strides = array<i32>} : memref<160x128xi32, #tpu.memory_space<vmem>>, vector<1x16xi32>,
      %get3A_146 = vector.shape_cast %get3A_145 : vector<1x16xi32> to vector<16xi32>
      %sub3A_147 = vector.broadcast %mul3A_0 : i32 to vector<16xi32>
      %sub3A_148 = arith.subi %get3A_146, %sub3A_147 : vector<16xi32>
      %ge3A_149 = arith.constant 0 : i32
      %ge3A_150 = vector.broadcast %ge3A_149 : i32 to vector<16xi32>
      %ge3A_151 = arith.cmpi sge, %sub3A_148, %ge3A_150 : vector<16xi32>
      %lt3A_152 = arith.constant 5000 : i32
      %lt3A_153 = vector.broadcast %lt3A_152 : i32 to vector<16xi32>
      %lt3A_154 = arith.cmpi slt, %sub3A_148, %lt3A_153 : vector<16xi32>
      %and3A_155 = arith.andi %ge3A_151, %lt3A_154 : vector<16xi1>
      %jit3A_156 = arith.constant 5000 : i32
      %broadcast_in_dim3A_157 = vector.broadcast %jit3A_156 : i32 to vector<16xi32>
      %select_n3A_158 = arith.select %and3A_155, %sub3A_148, %broadcast_in_dim3A_157 : vector<16xi1>, vector<16xi32>
      %swap3A_159 = arith.index_cast %scan3A_46 : i32 to index
      %swap3A_160 = arith.constant 80 : index
      %swap3A_161 = tpu.vector_load %arg7[%swap3A_159, %swap3A_160] {strides = array<i32>} : memref<160x128xi32, #tpu.memory_space<vmem>>, vector<1x16xi32>,
      %swap3A_162 = vector.shape_cast %swap3A_161 : vector<1x16xi32> to vector<16xi32>
      %swap3A_163 = vector.shape_cast %select_n3A_158 : vector<16xi32> to vector<1x16xi32>
      tpu.vector_store %arg7[%swap3A_159, %swap3A_160], %swap3A_163 {strides = array<i32>} : memref<160x128xi32, #tpu.memory_space<vmem>>, vector<1x16xi32>,
      %get3A_164 = arith.index_cast %scan3A_46 : i32 to index
      %get3A_165 = arith.constant 96 : index
      %get3A_166 = tpu.vector_load %arg7[%get3A_164, %get3A_165] {strides = array<i32>} : memref<160x128xi32, #tpu.memory_space<vmem>>, vector<1x16xi32>,
      %get3A_167 = vector.shape_cast %get3A_166 : vector<1x16xi32> to vector<16xi32>
      %sub3A_168 = vector.broadcast %mul3A_0 : i32 to vector<16xi32>
      %sub3A_169 = arith.subi %get3A_167, %sub3A_168 : vector<16xi32>
      %ge3A_170 = arith.constant 0 : i32
      %ge3A_171 = vector.broadcast %ge3A_170 : i32 to vector<16xi32>
      %ge3A_172 = arith.cmpi sge, %sub3A_169, %ge3A_171 : vector<16xi32>
      %lt3A_173 = arith.constant 5000 : i32
      %lt3A_174 = vector.broadcast %lt3A_173 : i32 to vector<16xi32>
      %lt3A_175 = arith.cmpi slt, %sub3A_169, %lt3A_174 : vector<16xi32>
      %and3A_176 = arith.andi %ge3A_172, %lt3A_175 : vector<16xi1>
      %jit3A_177 = arith.constant 5000 : i32
      %broadcast_in_dim3A_178 = vector.broadcast %jit3A_177 : i32 to vector<16xi32>
      %select_n3A_179 = arith.select %and3A_176, %sub3A_169, %broadcast_in_dim3A_178 : vector<16xi1>, vector<16xi32>
      %swap3A_180 = arith.index_cast %scan3A_46 : i32 to index
      %swap3A_181 = arith.constant 96 : index
      %swap3A_182 = tpu.vector_load %arg7[%swap3A_180, %swap3A_181] {strides = array<i32>} : memref<160x128xi32, #tpu.memory_space<vmem>>, vector<1x16xi32>,
      %swap3A_183 = vector.shape_cast %swap3A_182 : vector<1x16xi32> to vector<16xi32>
      %swap3A_184 = vector.shape_cast %select_n3A_179 : vector<16xi32> to vector<1x16xi32>
      tpu.vector_store %arg7[%swap3A_180, %swap3A_181], %swap3A_184 {strides = array<i32>} : memref<160x128xi32, #tpu.memory_space<vmem>>, vector<1x16xi32>,
      %get3A_185 = arith.index_cast %scan3A_46 : i32 to index
      %get3A_186 = arith.constant 112 : index
      %get3A_187 = tpu.vector_load %arg7[%get3A_185, %get3A_186] {strides = array<i32>} : memref<160x128xi32, #tpu.memory_space<vmem>>, vector<1x16xi32>,
      %get3A_188 = vector.shape_cast %get3A_187 : vector<1x16xi32> to vector<16xi32>
      %sub3A_189 = vector.broadcast %mul3A_0 : i32 to vector<16xi32>
      %sub3A_190 = arith.subi %get3A_188, %sub3A_189 : vector<16xi32>
      %ge3A_191 = arith.constant 0 : i32
      %ge3A_192 = vector.broadcast %ge3A_191 : i32 to vector<16xi32>
      %ge3A_193 = arith.cmpi sge, %sub3A_190, %ge3A_192 : vector<16xi32>
      %lt3A_194 = arith.constant 5000 : i32
      %lt3A_195 = vector.broadcast %lt3A_194 : i32 to vector<16xi32>
      %lt3A_196 = arith.cmpi slt, %sub3A_190, %lt3A_195 : vector<16xi32>
      %and3A_197 = arith.andi %ge3A_193, %lt3A_196 : vector<16xi1>
      %jit3A_198 = arith.constant 5000 : i32
      %broadcast_in_dim3A_199 = vector.broadcast %jit3A_198 : i32 to vector<16xi32>
      %select_n3A_200 = arith.select %and3A_197, %sub3A_190, %broadcast_in_dim3A_199 : vector<16xi1>, vector<16xi32>
      %swap3A_201 = arith.index_cast %scan3A_46 : i32 to index
      %swap3A_202 = arith.constant 112 : index
      %swap3A_203 = tpu.vector_load %arg7[%swap3A_201, %swap3A_202] {strides = array<i32>} : memref<160x128xi32, #tpu.memory_space<vmem>>, vector<1x16xi32>,
      %swap3A_204 = vector.shape_cast %swap3A_203 : vector<1x16xi32> to vector<16xi32>
      %swap3A_205 = vector.shape_cast %select_n3A_200 : vector<16xi32> to vector<1x16xi32>
      tpu.vector_store %arg7[%swap3A_201, %swap3A_202], %swap3A_205 {strides = array<i32>} : memref<160x128xi32, #tpu.memory_space<vmem>>, vector<1x16xi32>,
    }
    %scan3A_5 = arith.constant 160 : i32
    %scan3A_6 = arith.constant 0 : i32
    %scan3A_7 = arith.constant 0 : i32
    %scan3A_8 = arith.constant 128 : i32
    %scan3A_9 = arith.addi %scan3A_7, %scan3A_8 : i32
    %scan3A_10 = arith.constant 1 : i32
    scf.for %scan3A_46 = %scan3A_7 to %scan3A_9 step %scan3A_10  : i32 {
      %broadcast_in_dim3A = arith.constant 0.000000e+00 : f32
      %broadcast_in_dim3A_47 = vector.broadcast %broadcast_in_dim3A : f32 to vector<16xf32>
      %swap3A = arith.index_cast %scan3A_46 : i32 to index
      %swap3A_48 = arith.constant 0 : index
      %swap3A_49 = tpu.vector_load %arg8[%swap3A, %swap3A_48] {strides = array<i32>} : memref<128x128xf32, #tpu.memory_space<vmem>>, vector<1x16xf32>,
      %swap3A_50 = vector.shape_cast %swap3A_49 : vector<1x16xf32> to vector<16xf32>
      %swap3A_51 = vector.shape_cast %broadcast_in_dim3A_47 : vector<16xf32> to vector<1x16xf32>
      tpu.vector_store %arg8[%swap3A, %swap3A_48], %swap3A_51 {strides = array<i32>} : memref<128x128xf32, #tpu.memory_space<vmem>>, vector<1x16xf32>,
      %broadcast_in_dim3A_52 = arith.constant 0.000000e+00 : f32
      %broadcast_in_dim3A_53 = vector.broadcast %broadcast_in_dim3A_52 : f32 to vector<16xf32>
      %swap3A_54 = arith.index_cast %scan3A_46 : i32 to index
      %swap3A_55 = arith.constant 16 : index
      %swap3A_56 = tpu.vector_load %arg8[%swap3A_54, %swap3A_55] {strides = array<i32>} : memref<128x128xf32, #tpu.memory_space<vmem>>, vector<1x16xf32>,
      %swap3A_57 = vector.shape_cast %swap3A_56 : vector<1x16xf32> to vector<16xf32>
      %swap3A_58 = vector.shape_cast %broadcast_in_dim3A_53 : vector<16xf32> to vector<1x16xf32>
      tpu.vector_store %arg8[%swap3A_54, %swap3A_55], %swap3A_58 {strides = array<i32>} : memref<128x128xf32, #tpu.memory_space<vmem>>, vector<1x16xf32>,
      %broadcast_in_dim3A_59 = arith.constant 0.000000e+00 : f32
      %broadcast_in_dim3A_60 = vector.broadcast %broadcast_in_dim3A_59 : f32 to vector<16xf32>
      %swap3A_61 = arith.index_cast %scan3A_46 : i32 to index
      %swap3A_62 = arith.constant 32 : index
      %swap3A_63 = tpu.vector_load %arg8[%swap3A_61, %swap3A_62] {strides = array<i32>} : memref<128x128xf32, #tpu.memory_space<vmem>>, vector<1x16xf32>,
      %swap3A_64 = vector.shape_cast %swap3A_63 : vector<1x16xf32> to vector<16xf32>
      %swap3A_65 = vector.shape_cast %broadcast_in_dim3A_60 : vector<16xf32> to vector<1x16xf32>
      tpu.vector_store %arg8[%swap3A_61, %swap3A_62], %swap3A_65 {strides = array<i32>} : memref<128x128xf32, #tpu.memory_space<vmem>>, vector<1x16xf32>,
      %broadcast_in_dim3A_66 = arith.constant 0.000000e+00 : f32
      %broadcast_in_dim3A_67 = vector.broadcast %broadcast_in_dim3A_66 : f32 to vector<16xf32>
      %swap3A_68 = arith.index_cast %scan3A_46 : i32 to index
      %swap3A_69 = arith.constant 48 : index
      %swap3A_70 = tpu.vector_load %arg8[%swap3A_68, %swap3A_69] {strides = array<i32>} : memref<128x128xf32, #tpu.memory_space<vmem>>, vector<1x16xf32>,
      %swap3A_71 = vector.shape_cast %swap3A_70 : vector<1x16xf32> to vector<16xf32>
      %swap3A_72 = vector.shape_cast %broadcast_in_dim3A_67 : vector<16xf32> to vector<1x16xf32>
      tpu.vector_store %arg8[%swap3A_68, %swap3A_69], %swap3A_72 {strides = array<i32>} : memref<128x128xf32, #tpu.memory_space<vmem>>, vector<1x16xf32>,
      %broadcast_in_dim3A_73 = arith.constant 0.000000e+00 : f32
      %broadcast_in_dim3A_74 = vector.broadcast %broadcast_in_dim3A_73 : f32 to vector<16xf32>
      %swap3A_75 = arith.index_cast %scan3A_46 : i32 to index
      %swap3A_76 = arith.constant 64 : index
      %swap3A_77 = tpu.vector_load %arg8[%swap3A_75, %swap3A_76] {strides = array<i32>} : memref<128x128xf32, #tpu.memory_space<vmem>>, vector<1x16xf32>,
      %swap3A_78 = vector.shape_cast %swap3A_77 : vector<1x16xf32> to vector<16xf32>
      %swap3A_79 = vector.shape_cast %broadcast_in_dim3A_74 : vector<16xf32> to vector<1x16xf32>
      tpu.vector_store %arg8[%swap3A_75, %swap3A_76], %swap3A_79 {strides = array<i32>} : memref<128x128xf32, #tpu.memory_space<vmem>>, vector<1x16xf32>,
      %broadcast_in_dim3A_80 = arith.constant 0.000000e+00 : f32
      %broadcast_in_dim3A_81 = vector.broadcast %broadcast_in_dim3A_80 : f32 to vector<16xf32>
      %swap3A_82 = arith.index_cast %scan3A_46 : i32 to index
      %swap3A_83 = arith.constant 80 : index
      %swap3A_84 = tpu.vector_load %arg8[%swap3A_82, %swap3A_83] {strides = array<i32>} : memref<128x128xf32, #tpu.memory_space<vmem>>, vector<1x16xf32>,
      %swap3A_85 = vector.shape_cast %swap3A_84 : vector<1x16xf32> to vector<16xf32>
      %swap3A_86 = vector.shape_cast %broadcast_in_dim3A_81 : vector<16xf32> to vector<1x16xf32>
      tpu.vector_store %arg8[%swap3A_82, %swap3A_83], %swap3A_86 {strides = array<i32>} : memref<128x128xf32, #tpu.memory_space<vmem>>, vector<1x16xf32>,
      %broadcast_in_dim3A_87 = arith.constant 0.000000e+00 : f32
      %broadcast_in_dim3A_88 = vector.broadcast %broadcast_in_dim3A_87 : f32 to vector<16xf32>
      %swap3A_89 = arith.index_cast %scan3A_46 : i32 to index
      %swap3A_90 = arith.constant 96 : index
      %swap3A_91 = tpu.vector_load %arg8[%swap3A_89, %swap3A_90] {strides = array<i32>} : memref<128x128xf32, #tpu.memory_space<vmem>>, vector<1x16xf32>,
      %swap3A_92 = vector.shape_cast %swap3A_91 : vector<1x16xf32> to vector<16xf32>
      %swap3A_93 = vector.shape_cast %broadcast_in_dim3A_88 : vector<16xf32> to vector<1x16xf32>
      tpu.vector_store %arg8[%swap3A_89, %swap3A_90], %swap3A_93 {strides = array<i32>} : memref<128x128xf32, #tpu.memory_space<vmem>>, vector<1x16xf32>,
      %broadcast_in_dim3A_94 = arith.constant 0.000000e+00 : f32
      %broadcast_in_dim3A_95 = vector.broadcast %broadcast_in_dim3A_94 : f32 to vector<16xf32>
      %swap3A_96 = arith.index_cast %scan3A_46 : i32 to index
      %swap3A_97 = arith.constant 112 : index
      %swap3A_98 = tpu.vector_load %arg8[%swap3A_96, %swap3A_97] {strides = array<i32>} : memref<128x128xf32, #tpu.memory_space<vmem>>, vector<1x16xf32>,
      %swap3A_99 = vector.shape_cast %swap3A_98 : vector<1x16xf32> to vector<16xf32>
      %swap3A_100 = vector.shape_cast %broadcast_in_dim3A_95 : vector<16xf32> to vector<1x16xf32>
      tpu.vector_store %arg8[%swap3A_96, %swap3A_97], %swap3A_100 {strides = array<i32>} : memref<128x128xf32, #tpu.memory_space<vmem>>, vector<1x16xf32>,
    }
    %scan3A_11 = arith.constant 128 : i32
    %mul3A_12 = arith.constant 320 : i32
    %mul3A_13 = arith.muli %arg1, %mul3A_12 : i32
    %add3A = arith.constant 0 : i32
    %add3A_14 = arith.addi %mul3A_13, %add3A : i32
    "tpu.region"() ({
      %run_scoped3A = tpu.sem_alloc : memref<!tpu.dma_semaphore, #tpu.memory_space<semaphore_mem>>
      %dma_start3A_46 = arith.constant 0 : i32
      %dma_start3A_47 = arith.constant 0 : i32
      %dma_start3A_48 = tpu.memref_slice %arg8[%dma_start3A_46, %dma_start3A_47] : memref<128x128xf32, #tpu.memory_space<vmem>> -> memref<128x128xf32, #tpu.memory_space<vmem>>
      %dma_start3A_49 = arith.constant 0 : i32
      %dma_start3A_50 = tpu.memref_slice %arg10[%add3A_14, %dma_start3A_49] : memref<5120x128xf32, #tpu.memory_space<vmem_shared>> -> memref<128x128xf32, #tpu.memory_space<vmem_shared>>
      %dma_start3A_51 = arith.constant 0 : i32
      %dma_start3A_52 = tpu.memref_slice %arg10[%add3A_14, %dma_start3A_51] : memref<5120x128xf32, #tpu.memory_space<vmem_shared>> -> memref<128x128xf32, #tpu.memory_space<vmem_shared>>
      %dma_start3A_53 = arith.constant 0 : i32
      %dma_start3A_54 = arith.constant 0 : i32
      %dma_start3A_55 = tpu.memref_slice %arg8[%dma_start3A_53, %dma_start3A_54] : memref<128x128xf32, #tpu.memory_space<vmem>> -> memref<128x128xf32, #tpu.memory_space<vmem>>
      tpu.enqueue_dma source(%dma_start3A_55 : memref<128x128xf32, #tpu.memory_space<vmem>>) target(%dma_start3A_52 : memref<128x128xf32, #tpu.memory_space<vmem_shared>>) target_semaphore(%run_scoped3A : memref<!tpu.dma_semaphore, #tpu.memory_space<semaphore_mem>>)
      %dma_wait3A_56 = arith.constant 0 : i32
      %dma_wait3A_57 = arith.constant 0 : i32
      %dma_wait3A_58 = tpu.memref_slice %arg8[%dma_wait3A_56, %dma_wait3A_57] : memref<128x128xf32, #tpu.memory_space<vmem>> -> memref<128x128xf32, #tpu.memory_space<vmem>>
      %dma_wait3A_59 = arith.constant 0 : i32
      %dma_wait3A_60 = tpu.memref_slice %arg10[%add3A_14, %dma_wait3A_59] : memref<5120x128xf32, #tpu.memory_space<vmem_shared>> -> memref<128x128xf32, #tpu.memory_space<vmem_shared>>
      %dma_wait3A_61 = arith.constant 0 : i32
      %dma_wait3A_62 = tpu.memref_slice %arg10[%add3A_14, %dma_wait3A_61] : memref<5120x128xf32, #tpu.memory_space<vmem_shared>> -> memref<128x128xf32, #tpu.memory_space<vmem_shared>>
      %dma_wait3A_63 = arith.constant 0 : i32
      %dma_wait3A_64 = arith.constant 0 : i32
      %dma_wait3A_65 = tpu.memref_slice %arg8[%dma_wait3A_63, %dma_wait3A_64] : memref<128x128xf32, #tpu.memory_space<vmem>> -> memref<128x128xf32, #tpu.memory_space<vmem>>
      tpu.wait_dma2 semaphore(%run_scoped3A : memref<!tpu.dma_semaphore, #tpu.memory_space<semaphore_mem>>) src(%dma_wait3A_65 : memref<128x128xf32, #tpu.memory_space<vmem>>) dst(%dma_wait3A_62 : memref<128x128xf32, #tpu.memory_space<vmem_shared>>)
      tpu.yield
    }) : () -> ()
    %mul3A_15 = arith.constant 320 : i32
    %mul3A_16 = arith.muli %arg1, %mul3A_15 : i32
    %add3A_17 = arith.constant 128 : i32
    %add3A_18 = arith.addi %mul3A_16, %add3A_17 : i32
    "tpu.region"() ({
      %run_scoped3A = tpu.sem_alloc : memref<!tpu.dma_semaphore, #tpu.memory_space<semaphore_mem>>
      %dma_start3A_46 = arith.constant 0 : i32
      %dma_start3A_47 = arith.constant 0 : i32
      %dma_start3A_48 = tpu.memref_slice %arg8[%dma_start3A_46, %dma_start3A_47] : memref<128x128xf32, #tpu.memory_space<vmem>> -> memref<128x128xf32, #tpu.memory_space<vmem>>
      %dma_start3A_49 = arith.constant 0 : i32
      %dma_start3A_50 = tpu.memref_slice %arg10[%add3A_18, %dma_start3A_49] : memref<5120x128xf32, #tpu.memory_space<vmem_shared>> -> memref<128x128xf32, #tpu.memory_space<vmem_shared>>
      %dma_start3A_51 = arith.constant 0 : i32
      %dma_start3A_52 = tpu.memref_slice %arg10[%add3A_18, %dma_start3A_51] : memref<5120x128xf32, #tpu.memory_space<vmem_shared>> -> memref<128x128xf32, #tpu.memory_space<vmem_shared>>
      %dma_start3A_53 = arith.constant 0 : i32
      %dma_start3A_54 = arith.constant 0 : i32
      %dma_start3A_55 = tpu.memref_slice %arg8[%dma_start3A_53, %dma_start3A_54] : memref<128x128xf32, #tpu.memory_space<vmem>> -> memref<128x128xf32, #tpu.memory_space<vmem>>
      tpu.enqueue_dma source(%dma_start3A_55 : memref<128x128xf32, #tpu.memory_space<vmem>>) target(%dma_start3A_52 : memref<128x128xf32, #tpu.memory_space<vmem_shared>>) target_semaphore(%run_scoped3A : memref<!tpu.dma_semaphore, #tpu.memory_space<semaphore_mem>>)
      %dma_wait3A_56 = arith.constant 0 : i32
      %dma_wait3A_57 = arith.constant 0 : i32
      %dma_wait3A_58 = tpu.memref_slice %arg8[%dma_wait3A_56, %dma_wait3A_57] : memref<128x128xf32, #tpu.memory_space<vmem>> -> memref<128x128xf32, #tpu.memory_space<vmem>>
      %dma_wait3A_59 = arith.constant 0 : i32
      %dma_wait3A_60 = tpu.memref_slice %arg10[%add3A_18, %dma_wait3A_59] : memref<5120x128xf32, #tpu.memory_space<vmem_shared>> -> memref<128x128xf32, #tpu.memory_space<vmem_shared>>
      %dma_wait3A_61 = arith.constant 0 : i32
      %dma_wait3A_62 = tpu.memref_slice %arg10[%add3A_18, %dma_wait3A_61] : memref<5120x128xf32, #tpu.memory_space<vmem_shared>> -> memref<128x128xf32, #tpu.memory_space<vmem_shared>>
      %dma_wait3A_63 = arith.constant 0 : i32
      %dma_wait3A_64 = arith.constant 0 : i32
      %dma_wait3A_65 = tpu.memref_slice %arg8[%dma_wait3A_63, %dma_wait3A_64] : memref<128x128xf32, #tpu.memory_space<vmem>> -> memref<128x128xf32, #tpu.memory_space<vmem>>
      tpu.wait_dma2 semaphore(%run_scoped3A : memref<!tpu.dma_semaphore, #tpu.memory_space<semaphore_mem>>) src(%dma_wait3A_65 : memref<128x128xf32, #tpu.memory_space<vmem>>) dst(%dma_wait3A_62 : memref<128x128xf32, #tpu.memory_space<vmem_shared>>)
      tpu.yield
    }) : () -> ()
    %mul3A_19 = arith.constant 320 : i32
    %mul3A_20 = arith.muli %arg1, %mul3A_19 : i32
    %add3A_21 = arith.constant 256 : i32
    %add3A_22 = arith.addi %mul3A_20, %add3A_21 : i32
    "tpu.region"() ({
      %run_scoped3A = tpu.sem_alloc : memref<!tpu.dma_semaphore, #tpu.memory_space<semaphore_mem>>
      %dma_start3A_46 = arith.constant 0 : i32
      %dma_start3A_47 = arith.constant 0 : i32
      %dma_start3A_48 = tpu.memref_slice %arg8[%dma_start3A_46, %dma_start3A_47] : memref<128x128xf32, #tpu.memory_space<vmem>> -> memref<64x128xf32, #tpu.memory_space<vmem>>
      %dma_start3A_49 = arith.constant 0 : i32
      %dma_start3A_50 = tpu.memref_slice %arg10[%add3A_22, %dma_start3A_49] : memref<5120x128xf32, #tpu.memory_space<vmem_shared>> -> memref<64x128xf32, #tpu.memory_space<vmem_shared>>
      %dma_start3A_51 = arith.constant 0 : i32
      %dma_start3A_52 = tpu.memref_slice %arg10[%add3A_22, %dma_start3A_51] : memref<5120x128xf32, #tpu.memory_space<vmem_shared>> -> memref<64x128xf32, #tpu.memory_space<vmem_shared>>
      %dma_start3A_53 = arith.constant 0 : i32
      %dma_start3A_54 = arith.constant 0 : i32
      %dma_start3A_55 = tpu.memref_slice %arg8[%dma_start3A_53, %dma_start3A_54] : memref<128x128xf32, #tpu.memory_space<vmem>> -> memref<64x128xf32, #tpu.memory_space<vmem>>
      tpu.enqueue_dma source(%dma_start3A_55 : memref<64x128xf32, #tpu.memory_space<vmem>>) target(%dma_start3A_52 : memref<64x128xf32, #tpu.memory_space<vmem_shared>>) target_semaphore(%run_scoped3A : memref<!tpu.dma_semaphore, #tpu.memory_space<semaphore_mem>>)
      %dma_wait3A_56 = arith.constant 0 : i32
      %dma_wait3A_57 = arith.constant 0 : i32
      %dma_wait3A_58 = tpu.memref_slice %arg8[%dma_wait3A_56, %dma_wait3A_57] : memref<128x128xf32, #tpu.memory_space<vmem>> -> memref<64x128xf32, #tpu.memory_space<vmem>>
      %dma_wait3A_59 = arith.constant 0 : i32
      %dma_wait3A_60 = tpu.memref_slice %arg10[%add3A_22, %dma_wait3A_59] : memref<5120x128xf32, #tpu.memory_space<vmem_shared>> -> memref<64x128xf32, #tpu.memory_space<vmem_shared>>
      %dma_wait3A_61 = arith.constant 0 : i32
      %dma_wait3A_62 = tpu.memref_slice %arg10[%add3A_22, %dma_wait3A_61] : memref<5120x128xf32, #tpu.memory_space<vmem_shared>> -> memref<64x128xf32, #tpu.memory_space<vmem_shared>>
      %dma_wait3A_63 = arith.constant 0 : i32
      %dma_wait3A_64 = arith.constant 0 : i32
      %dma_wait3A_65 = tpu.memref_slice %arg8[%dma_wait3A_63, %dma_wait3A_64] : memref<128x128xf32, #tpu.memory_space<vmem>> -> memref<64x128xf32, #tpu.memory_space<vmem>>
      tpu.wait_dma2 semaphore(%run_scoped3A : memref<!tpu.dma_semaphore, #tpu.memory_space<semaphore_mem>>) src(%dma_wait3A_65 : memref<64x128xf32, #tpu.memory_space<vmem>>) dst(%dma_wait3A_62 : memref<64x128xf32, #tpu.memory_space<vmem_shared>>)
      tpu.yield
    }) : () -> ()
    %barrier3A = arith.constant 0 : index
    tpu.barrier barrier_id(%barrier3A)
    %dma_start3A = arith.constant 0 : i32
    %dma_start3A_23 = arith.constant 0 : i32
    %dma_start3A_24 = tpu.memref_slice %arg6[%dma_start3A, %dma_start3A_23] : memref<160x128xi32, #tpu.memory_space<vmem>> -> memref<1x128xi32, #tpu.memory_space<vmem>>
    %dma_start3A_25 = tpu.memref_squeeze %dma_start3A_24 : memref<1x128xi32, #tpu.memory_space<vmem>> -> memref<128xi32, #tpu.memory_space<vmem>>
    %dma_start3A_26 = arith.constant 0 : i32
    %dma_start3A_27 = arith.constant 0 : i32
    %dma_start3A_28 = tpu.memref_slice %arg2[%dma_start3A_26, %dma_start3A_27] : memref<10000x128xf32, #tpu.memory_space<hbm>> -> memref<10000x128xf32, #tpu.memory_space<hbm>>
    tpu.enqueue_indirect_dma source(%dma_start3A_28 : memref<10000x128xf32, #tpu.memory_space<hbm>>) target(%arg8 : memref<128x128xf32, #tpu.memory_space<vmem>>) offsets(%dma_start3A_25 : memref<128xi32, #tpu.memory_space<vmem>>) semaphore(%arg11 : memref<!tpu.dma_semaphore, #tpu.memory_space<semaphore_mem>>)
    %scan3A_29 = arith.constant 0 : i32
    %scan3A_30 = arith.constant 0 : i32
    %scan3A_31 = arith.constant 80 : i32
    %scan3A_32 = arith.addi %scan3A_30, %scan3A_31 : i32
    %scan3A_33 = arith.constant 1 : i32
    scf.for %scan3A_46 = %scan3A_30 to %scan3A_32 step %scan3A_33  : i32 {
      %mul3A_47 = arith.constant 2 : i32
      %mul3A_48 = arith.muli %scan3A_46, %mul3A_47 : i32
      %dma_wait3A_49 = arith.constant 0 : i32
      %dma_wait3A_50 = tpu.memref_slice %arg6[%mul3A_48, %dma_wait3A_49] : memref<160x128xi32, #tpu.memory_space<vmem>> -> memref<1x128xi32, #tpu.memory_space<vmem>>
      %dma_wait3A_51 = tpu.memref_squeeze %dma_wait3A_50 : memref<1x128xi32, #tpu.memory_space<vmem>> -> memref<128xi32, #tpu.memory_space<vmem>>
      %dma_wait3A_52 = arith.constant 0 : i32
      %dma_wait3A_53 = arith.constant 0 : i32
      %dma_wait3A_54 = tpu.memref_slice %arg2[%dma_wait3A_52, %dma_wait3A_53] : memref<10000x128xf32, #tpu.memory_space<hbm>> -> memref<10000x128xf32, #tpu.memory_space<hbm>>
      tpu.wait_indirect_dma semaphore(%arg11 : memref<!tpu.dma_semaphore, #tpu.memory_space<semaphore_mem>>) src(%dma_wait3A_54 : memref<10000x128xf32, #tpu.memory_space<hbm>>) dst(%arg8 : memref<128x128xf32, #tpu.memory_space<vmem>>)
      %add3A_55 = arith.constant 1 : i32
      %add3A_56 = arith.addi %mul3A_48, %add3A_55 : i32
      %dma_start3A_57 = arith.constant 0 : i32
      %dma_start3A_58 = tpu.memref_slice %arg6[%add3A_56, %dma_start3A_57] : memref<160x128xi32, #tpu.memory_space<vmem>> -> memref<1x128xi32, #tpu.memory_space<vmem>>
      %dma_start3A_59 = tpu.memref_squeeze %dma_start3A_58 : memref<1x128xi32, #tpu.memory_space<vmem>> -> memref<128xi32, #tpu.memory_space<vmem>>
      %dma_start3A_60 = arith.constant 0 : i32
      %dma_start3A_61 = arith.constant 0 : i32
      %dma_start3A_62 = tpu.memref_slice %arg2[%dma_start3A_60, %dma_start3A_61] : memref<10000x128xf32, #tpu.memory_space<hbm>> -> memref<10000x128xf32, #tpu.memory_space<hbm>>
      tpu.enqueue_indirect_dma source(%dma_start3A_62 : memref<10000x128xf32, #tpu.memory_space<hbm>>) target(%arg9 : memref<128x128xf32, #tpu.memory_space<vmem>>) offsets(%dma_start3A_59 : memref<128xi32, #tpu.memory_space<vmem>>) semaphore(%arg12 : memref<!tpu.dma_semaphore, #tpu.memory_space<semaphore_mem>>)
      "tpu.region"() ({
        %run_scoped3A = tpu.sem_alloc : memref<!tpu.dma_semaphore, #tpu.memory_space<semaphore_mem>>
        %dma_start3A_82 = arith.constant 0 : i32
        %dma_start3A_83 = tpu.memref_slice %arg7[%mul3A_48, %dma_start3A_82] : memref<160x128xi32, #tpu.memory_space<vmem>> -> memref<1x128xi32, #tpu.memory_space<vmem>>
        %dma_start3A_84 = tpu.memref_squeeze %dma_start3A_83 : memref<1x128xi32, #tpu.memory_space<vmem>> -> memref<128xi32, #tpu.memory_space<vmem>>
        %dma_start3A_85 = arith.constant 0 : i32
        %dma_start3A_86 = arith.constant 0 : i32
        %dma_start3A_87 = tpu.memref_slice %arg10[%dma_start3A_85, %dma_start3A_86] : memref<5120x128xf32, #tpu.memory_space<vmem_shared>> -> memref<5120x128xf32, #tpu.memory_space<vmem_shared>>
        tpu.enqueue_indirect_dma source(%arg8 : memref<128x128xf32, #tpu.memory_space<vmem>>) target(%dma_start3A_87 : memref<5120x128xf32, #tpu.memory_space<vmem_shared>>) offsets(%dma_start3A_84 : memref<128xi32, #tpu.memory_space<vmem>>) semaphore(%run_scoped3A : memref<!tpu.dma_semaphore, #tpu.memory_space<semaphore_mem>>) {add = true}
        %dma_wait3A_88 = arith.constant 0 : i32
        %dma_wait3A_89 = tpu.memref_slice %arg7[%mul3A_48, %dma_wait3A_88] : memref<160x128xi32, #tpu.memory_space<vmem>> -> memref<1x128xi32, #tpu.memory_space<vmem>>
        %dma_wait3A_90 = tpu.memref_squeeze %dma_wait3A_89 : memref<1x128xi32, #tpu.memory_space<vmem>> -> memref<128xi32, #tpu.memory_space<vmem>>
        %dma_wait3A_91 = arith.constant 0 : i32
        %dma_wait3A_92 = arith.constant 0 : i32
        %dma_wait3A_93 = tpu.memref_slice %arg10[%dma_wait3A_91, %dma_wait3A_92] : memref<5120x128xf32, #tpu.memory_space<vmem_shared>> -> memref<5120x128xf32, #tpu.memory_space<vmem_shared>>
        tpu.wait_indirect_dma semaphore(%run_scoped3A : memref<!tpu.dma_semaphore, #tpu.memory_space<semaphore_mem>>) src(%arg8 : memref<128x128xf32, #tpu.memory_space<vmem>>) dst(%dma_wait3A_93 : memref<5120x128xf32, #tpu.memory_space<vmem_shared>>)
        tpu.yield
      }) : () -> ()
      %add3A_63 = arith.constant 1 : i32
      %add3A_64 = arith.addi %mul3A_48, %add3A_63 : i32
      %dma_wait3A_65 = arith.constant 0 : i32
      %dma_wait3A_66 = tpu.memref_slice %arg6[%add3A_64, %dma_wait3A_65] : memref<160x128xi32, #tpu.memory_space<vmem>> -> memref<1x128xi32, #tpu.memory_space<vmem>>
      %dma_wait3A_67 = tpu.memref_squeeze %dma_wait3A_66 : memref<1x128xi32, #tpu.memory_space<vmem>> -> memref<128xi32, #tpu.memory_space<vmem>>
      %dma_wait3A_68 = arith.constant 0 : i32
      %dma_wait3A_69 = arith.constant 0 : i32
      %dma_wait3A_70 = tpu.memref_slice %arg2[%dma_wait3A_68, %dma_wait3A_69] : memref<10000x128xf32, #tpu.memory_space<hbm>> -> memref<10000x128xf32, #tpu.memory_space<hbm>>
      tpu.wait_indirect_dma semaphore(%arg12 : memref<!tpu.dma_semaphore, #tpu.memory_space<semaphore_mem>>) src(%dma_wait3A_70 : memref<10000x128xf32, #tpu.memory_space<hbm>>) dst(%arg9 : memref<128x128xf32, #tpu.memory_space<vmem>>)
      %add3A_71 = arith.constant 2 : i32
      %add3A_72 = arith.addi %mul3A_48, %add3A_71 : i32
      %rem3A = arith.constant 160 : i32
      %rem3A_73 = arith.remsi %add3A_72, %rem3A : i32
      %dma_start3A_74 = arith.constant 0 : i32
      %dma_start3A_75 = tpu.memref_slice %arg6[%rem3A_73, %dma_start3A_74] : memref<160x128xi32, #tpu.memory_space<vmem>> -> memref<1x128xi32, #tpu.memory_space<vmem>>
      %dma_start3A_76 = tpu.memref_squeeze %dma_start3A_75 : memref<1x128xi32, #tpu.memory_space<vmem>> -> memref<128xi32, #tpu.memory_space<vmem>>
      %dma_start3A_77 = arith.constant 0 : i32
      %dma_start3A_78 = arith.constant 0 : i32
      %dma_start3A_79 = tpu.memref_slice %arg2[%dma_start3A_77, %dma_start3A_78] : memref<10000x128xf32, #tpu.memory_space<hbm>> -> memref<10000x128xf32, #tpu.memory_space<hbm>>
      tpu.enqueue_indirect_dma source(%dma_start3A_79 : memref<10000x128xf32, #tpu.memory_space<hbm>>) target(%arg8 : memref<128x128xf32, #tpu.memory_space<vmem>>) offsets(%dma_start3A_76 : memref<128xi32, #tpu.memory_space<vmem>>) semaphore(%arg11 : memref<!tpu.dma_semaphore, #tpu.memory_space<semaphore_mem>>)
      %add3A_80 = arith.constant 1 : i32
      %add3A_81 = arith.addi %mul3A_48, %add3A_80 : i32
      "tpu.region"() ({
        %run_scoped3A = tpu.sem_alloc : memref<!tpu.dma_semaphore, #tpu.memory_space<semaphore_mem>>
        %dma_start3A_82 = arith.constant 0 : i32
        %dma_start3A_83 = tpu.memref_slice %arg7[%add3A_81, %dma_start3A_82] : memref<160x128xi32, #tpu.memory_space<vmem>> -> memref<1x128xi32, #tpu.memory_space<vmem>>
        %dma_start3A_84 = tpu.memref_squeeze %dma_start3A_83 : memref<1x128xi32, #tpu.memory_space<vmem>> -> memref<128xi32, #tpu.memory_space<vmem>>
        %dma_start3A_85 = arith.constant 0 : i32
        %dma_start3A_86 = arith.constant 0 : i32
        %dma_start3A_87 = tpu.memref_slice %arg10[%dma_start3A_85, %dma_start3A_86] : memref<5120x128xf32, #tpu.memory_space<vmem_shared>> -> memref<5120x128xf32, #tpu.memory_space<vmem_shared>>
        tpu.enqueue_indirect_dma source(%arg9 : memref<128x128xf32, #tpu.memory_space<vmem>>) target(%dma_start3A_87 : memref<5120x128xf32, #tpu.memory_space<vmem_shared>>) offsets(%dma_start3A_84 : memref<128xi32, #tpu.memory_space<vmem>>) semaphore(%run_scoped3A : memref<!tpu.dma_semaphore, #tpu.memory_space<semaphore_mem>>) {add = true}
        %dma_wait3A_88 = arith.constant 0 : i32
        %dma_wait3A_89 = tpu.memref_slice %arg7[%add3A_81, %dma_wait3A_88] : memref<160x128xi32, #tpu.memory_space<vmem>> -> memref<1x128xi32, #tpu.memory_space<vmem>>
        %dma_wait3A_90 = tpu.memref_squeeze %dma_wait3A_89 : memref<1x128xi32, #tpu.memory_space<vmem>> -> memref<128xi32, #tpu.memory_space<vmem>>
        %dma_wait3A_91 = arith.constant 0 : i32
        %dma_wait3A_92 = arith.constant 0 : i32
        %dma_wait3A_93 = tpu.memref_slice %arg10[%dma_wait3A_91, %dma_wait3A_92] : memref<5120x128xf32, #tpu.memory_space<vmem_shared>> -> memref<5120x128xf32, #tpu.memory_space<vmem_shared>>
        tpu.wait_indirect_dma semaphore(%run_scoped3A : memref<!tpu.dma_semaphore, #tpu.memory_space<semaphore_mem>>) src(%arg9 : memref<128x128xf32, #tpu.memory_space<vmem>>) dst(%dma_wait3A_93 : memref<5120x128xf32, #tpu.memory_space<vmem_shared>>)
        tpu.yield
      }) : () -> ()
    }
    %scan3A_34 = arith.constant 80 : i32
    %dma_wait3A = arith.constant 0 : i32
    %dma_wait3A_35 = arith.constant 0 : i32
    %dma_wait3A_36 = tpu.memref_slice %arg6[%dma_wait3A, %dma_wait3A_35] : memref<160x128xi32, #tpu.memory_space<vmem>> -> memref<1x128xi32, #tpu.memory_space<vmem>>
    %dma_wait3A_37 = tpu.memref_squeeze %dma_wait3A_36 : memref<1x128xi32, #tpu.memory_space<vmem>> -> memref<128xi32, #tpu.memory_space<vmem>>
    %dma_wait3A_38 = arith.constant 0 : i32
    %dma_wait3A_39 = arith.constant 0 : i32
    %dma_wait3A_40 = tpu.memref_slice %arg2[%dma_wait3A_38, %dma_wait3A_39] : memref<10000x128xf32, #tpu.memory_space<hbm>> -> memref<10000x128xf32, #tpu.memory_space<hbm>>
    tpu.wait_indirect_dma semaphore(%arg11 : memref<!tpu.dma_semaphore, #tpu.memory_space<semaphore_mem>>) src(%dma_wait3A_40 : memref<10000x128xf32, #tpu.memory_space<hbm>>) dst(%arg8 : memref<128x128xf32, #tpu.memory_space<vmem>>)
    %barrier3A_41 = arith.constant 0 : index
    tpu.barrier barrier_id(%barrier3A_41)
    %mul3A_42 = arith.constant 320 : i32
    %mul3A_43 = arith.muli %arg1, %mul3A_42 : i32
    %mul3A_44 = arith.constant 320 : i32
    %mul3A_45 = arith.muli %arg1, %mul3A_44 : i32
    "tpu.region"() ({
      %run_scoped3A = tpu.sem_alloc : memref<!tpu.dma_semaphore, #tpu.memory_space<semaphore_mem>>
      %dma_start3A_46 = arith.constant 0 : i32
      %dma_start3A_47 = tpu.memref_slice %arg5[%arg0, %mul3A_45, %dma_start3A_46] : memref<2x5120x128xf32, #tpu.memory_space<hbm>> -> memref<1x320x128xf32, #tpu.memory_space<hbm>>
      %dma_start3A_48 = tpu.memref_squeeze %dma_start3A_47 : memref<1x320x128xf32, #tpu.memory_space<hbm>> -> memref<320x128xf32, #tpu.memory_space<hbm>>
      %dma_start3A_49 = arith.constant 0 : i32
      %dma_start3A_50 = tpu.memref_slice %arg10[%mul3A_43, %dma_start3A_49] : memref<5120x128xf32, #tpu.memory_space<vmem_shared>> -> memref<320x128xf32, #tpu.memory_space<vmem_shared>>
      tpu.enqueue_dma source(%dma_start3A_50 : memref<320x128xf32, #tpu.memory_space<vmem_shared>>) target(%dma_start3A_48 : memref<320x128xf32, #tpu.memory_space<hbm>>) target_semaphore(%run_scoped3A : memref<!tpu.dma_semaphore, #tpu.memory_space<semaphore_mem>>)
      %dma_wait3A_51 = arith.constant 0 : i32
      %dma_wait3A_52 = tpu.memref_slice %arg5[%arg0, %mul3A_45, %dma_wait3A_51] : memref<2x5120x128xf32, #tpu.memory_space<hbm>> -> memref<1x320x128xf32, #tpu.memory_space<hbm>>
      %dma_wait3A_53 = tpu.memref_squeeze %dma_wait3A_52 : memref<1x320x128xf32, #tpu.memory_space<hbm>> -> memref<320x128xf32, #tpu.memory_space<hbm>>
      %dma_wait3A_54 = arith.constant 0 : i32
      %dma_wait3A_55 = tpu.memref_slice %arg10[%mul3A_43, %dma_wait3A_54] : memref<5120x128xf32, #tpu.memory_space<vmem_shared>> -> memref<320x128xf32, #tpu.memory_space<vmem_shared>>
      tpu.wait_dma2 semaphore(%run_scoped3A : memref<!tpu.dma_semaphore, #tpu.memory_space<semaphore_mem>>) src(%dma_wait3A_55 : memref<320x128xf32, #tpu.memory_space<vmem_shared>>) dst(%dma_wait3A_53 : memref<320x128xf32, #tpu.memory_space<hbm>>)
      tpu.yield
    }) : () -> ()
    return
  }
}

module attributes {stable_mosaic.version = 14 : i64} {
  func.func @_comb_body(%arg0: i32, %arg1: memref<1x1000x128xf32, #tpu.memory_space<vmem>>, %arg2: memref<1x128xf32, #tpu.memory_space<vmem>>, %arg3: memref<1000x128xf32, #tpu.memory_space<vmem>>) attributes {dimension_semantics = [#tpu.dimension_semantics<arbitrary>], iteration_bounds = array<i64: 10>, scalar_prefetch = 0 : i64, scratch_operands = 0 : i64, tpu.core_type = #tpu.core_type<tc>, window_params = [{transform_indices = @transform_0, window_bounds = array<i64: 1, 1000, 128>}, {pipeline_mode = #tpu.pipeline_mode<synchronous>, transform_indices = @transform_1, window_bounds = array<i64: 1, 128>}, {transform_indices = @transform_2, window_bounds = array<i64: 1000, 128>}]} {
    %get3A = arith.constant 0 : index
    %get3A_0 = arith.constant 0 : index
    %get3A_1 = arith.constant 0 : index
    %get3A_2 = vector.load %arg1[%get3A, %get3A_0, %get3A_1] : memref<1x1000x128xf32, #tpu.memory_space<vmem>>, vector<1x1000x128xf32>
    %get3A_3 = vector.shape_cast %get3A_2 : vector<1x1000x128xf32> to vector<1000x128xf32>
    %get3A_4 = arith.constant 0 : index
    %get3A_5 = arith.constant 0 : index
    %get3A_6 = vector.load %arg2[%get3A_4, %get3A_5] : memref<1x128xf32, #tpu.memory_space<vmem>>, vector<1x128xf32>
    %add3A = vector.broadcast %get3A_6 : vector<1x128xf32> to vector<1000x128xf32>
    %add3A_7 = arith.addf %get3A_3, %add3A : vector<1000x128xf32>
    %max3A = arith.constant 0.000000e+00 : f32
    %max3A_8 = vector.broadcast %max3A : f32 to vector<1000x128xf32>
    %max3A_9 = arith.maximumf %add3A_7, %max3A_8 : vector<1000x128xf32>
    %swap3A = arith.constant 0 : index
    %swap3A_10 = arith.constant 0 : index
    %swap3A_11 = vector.load %arg3[%swap3A, %swap3A_10] : memref<1000x128xf32, #tpu.memory_space<vmem>>, vector<1000x128xf32>
    tpu.vector_store %arg3[%swap3A, %swap3A_10], %max3A_9 {strides = array<i32>} : memref<1000x128xf32, #tpu.memory_space<vmem>>, vector<1000x128xf32>,
    return
  }
  func.func @transform_0(%arg0: i32) -> (i32, i32, i32) {
    %jit3A = arith.constant 5 : i32
    %div3A = arith.divsi %arg0, %jit3A : i32
    %sign3A = arith.constant 0 : i32
    %sign3A_0 = arith.cmpi sgt, %arg0, %sign3A : i32
    %sign3A_1 = arith.extui %sign3A_0 : i1 to i32
    %sign3A_2 = arith.constant 0 : i32
    %sign3A_3 = arith.cmpi slt, %arg0, %sign3A_2 : i32
    %sign3A_4 = arith.extui %sign3A_3 : i1 to i32
    %sign3A_5 = arith.subi %sign3A_1, %sign3A_4 : i32
    %sign3A_6 = arith.constant 0 : i32
    %sign3A_7 = arith.cmpi sgt, %jit3A, %sign3A_6 : i32
    %sign3A_8 = arith.extui %sign3A_7 : i1 to i32
    %sign3A_9 = arith.constant 0 : i32
    %sign3A_10 = arith.cmpi slt, %jit3A, %sign3A_9 : i32
    %sign3A_11 = arith.extui %sign3A_10 : i1 to i32
    %sign3A_12 = arith.subi %sign3A_8, %sign3A_11 : i32
    %ne3A = arith.cmpi ne, %sign3A_5, %sign3A_12 : i32
    %rem3A = arith.remsi %arg0, %jit3A : i32
    %ne3A_13 = arith.constant 0 : i32
    %ne3A_14 = arith.cmpi ne, %rem3A, %ne3A_13 : i32
    %and3A = arith.andi %ne3A, %ne3A_14 : i1
    %sub3A = arith.constant 1 : i32
    %sub3A_15 = arith.subi %div3A, %sub3A : i32
    %select_n3A = arith.select %and3A, %sub3A_15, %div3A : i32
    %jit3A_16 = arith.constant 5 : i32
    %eq3A = arith.constant 0 : i32
    %eq3A_17 = arith.cmpi eq, %jit3A_16, %eq3A : i32
    %jit3A_18 = arith.constant 1 : i32
    %select_n3A_19 = arith.select %eq3A_17, %jit3A_18, %jit3A_16 : i32
    %rem3A_20 = arith.remsi %arg0, %select_n3A_19 : i32
    %ne3A_21 = arith.constant 0 : i32
    %ne3A_22 = arith.cmpi ne, %rem3A_20, %ne3A_21 : i32
    %lt3A = arith.constant 0 : i32
    %lt3A_23 = arith.cmpi slt, %rem3A_20, %lt3A : i32
    %lt3A_24 = arith.constant 0 : i32
    %lt3A_25 = arith.cmpi slt, %select_n3A_19, %lt3A_24 : i32
    %ne3A_26 = arith.xori %lt3A_23, %lt3A_25 : i1
    %and3A_27 = arith.andi %ne3A_26, %ne3A_22 : i1
    %add3A = arith.addi %rem3A_20, %select_n3A_19 : i32
    %select_n3A_28 = arith.select %and3A_27, %add3A, %rem3A_20 : i32
    %c0_i32 = arith.constant 0 : i32
    %c0_i32_29 = arith.constant 0 : i32
    return %select_n3A, %select_n3A_28, %c0_i32 : i32, i32, i32
  }
  func.func @transform_1(%arg0: i32) -> (i32, i32) {
    %c0_i32 = arith.constant 0 : i32
    %c0_i32_0 = arith.constant 0 : i32
    %c0_i32_1 = arith.constant 0 : i32
    return %c0_i32, %c0_i32_0 : i32, i32
  }
  func.func @transform_2(%arg0: i32) -> (i32, i32) {
    %c0_i32 = arith.constant 0 : i32
    %c0_i32_0 = arith.constant 0 : i32
    return %arg0, %c0_i32 : i32, i32
  }
}

module attributes {stable_mosaic.version = 14 : i64} {
  func.func @_mm_body(%arg0: i32, %arg1: memref<1000x128xf32, #tpu.memory_space<vmem>>, %arg2: memref<128x128xf32, #tpu.memory_space<vmem>>, %arg3: memref<1000x128xf32, #tpu.memory_space<vmem>>) attributes {dimension_semantics = [#tpu.dimension_semantics<arbitrary>], iteration_bounds = array<i64: 10>, scalar_prefetch = 0 : i64, scratch_operands = 0 : i64, tpu.core_type = #tpu.core_type<tc>, window_params = [{transform_indices = @transform_0, window_bounds = array<i64: 1000, 128>}, {pipeline_mode = #tpu.pipeline_mode<synchronous>, transform_indices = @transform_1, window_bounds = array<i64: 128, 128>}, {transform_indices = @transform_2, window_bounds = array<i64: 1000, 128>}]} {
    %get3A = arith.constant 0 : index
    %get3A_0 = arith.constant 0 : index
    %get3A_1 = vector.load %arg1[%get3A, %get3A_0] : memref<1000x128xf32, #tpu.memory_space<vmem>>, vector<1000x128xf32>
    %get3A_2 = arith.constant 0 : index
    %get3A_3 = arith.constant 0 : index
    %get3A_4 = vector.load %arg2[%get3A_2, %get3A_3] : memref<128x128xf32, #tpu.memory_space<vmem>>, vector<128x128xf32>
    %dot_general3A = arith.constant dense<0.000000e+00> : vector<1000x128xf32>
    %dot_general3A_5 = tpu.matmul %get3A_1, %get3A_4, %dot_general3A {dimension_numbers = #tpu.dot_dimension_numbers<[1], [0], [0], [1], [0, 0, 1, 1], [], []>, transpose_lhs_hint = false} : vector<1000x128xf32>, vector<128x128xf32>, vector<1000x128xf32> -> vector<1000x128xf32>
    %swap3A = arith.constant 0 : index
    %swap3A_6 = arith.constant 0 : index
    %swap3A_7 = vector.load %arg3[%swap3A, %swap3A_6] : memref<1000x128xf32, #tpu.memory_space<vmem>>, vector<1000x128xf32>
    tpu.vector_store %arg3[%swap3A, %swap3A_6], %dot_general3A_5 {strides = array<i32>} : memref<1000x128xf32, #tpu.memory_space<vmem>>, vector<1000x128xf32>,
    return
  }
  func.func @transform_0(%arg0: i32) -> (i32, i32) {
    %c0_i32 = arith.constant 0 : i32
    %c0_i32_0 = arith.constant 0 : i32
    return %arg0, %c0_i32 : i32, i32
  }
  func.func @transform_1(%arg0: i32) -> (i32, i32) {
    %c0_i32 = arith.constant 0 : i32
    %c0_i32_0 = arith.constant 0 : i32
    %c0_i32_1 = arith.constant 0 : i32
    return %c0_i32, %c0_i32_0 : i32, i32
  }
  func.func @transform_2(%arg0: i32) -> (i32, i32) {
    %c0_i32 = arith.constant 0 : i32
    %c0_i32_0 = arith.constant 0 : i32
    return %arg0, %c0_i32 : i32, i32
  }
}

</mosaic_0001>

<sc_bundles>
// kernel: kernel.5.cloned.1.call-start
scs
__scs_entry_jumppad:
0x0: {  	(pc) =	sbr.rel $0x88, $3  }
0x1: {  	(tag) =	ssettag $0x0;
	lr =	simm.s32 $0x1  }
0x2: {  	[smem:$0x3F9D] =	sst lr;
	_ =	strace $0xD0000000  }
0x3: {  	_ = 	snop  }
0x4: {  	_ = 	snop  }
0x5: {  	_ = 	snop  }
0x6: {  	_ = 	snop  }
0x7: {  	_ = 	snop  }
__scs_overlays_trampoline_lowered:
0x8: {  	[smem:$0x3FAC] =	sst s0  }
0x9: {  	[smem:$0x3FAD] =	sst s1  }
0xa: {  	[smem:$0x3FAE] =	sst s2  }
0xb: {  	[smem:$0x3FAF] =	sst s3  }
0xc: {  	[smem:$0x3FB0] =	sst s4  }
0xd: {  	[smem:$0x3FB1] =	sst s5  }
0xe: {  	[smem:$0x3FB2] =	sst s6  }
0xf: {  	[smem:$0x3FB3] =	sst s7  }
0x10: {  	[smem:$0x3FB4] =	sst s8  }
0x11: {  	[smem:$0x3FB5] =	sst s9;
	s0 =	simm.s32 @!p0 $0x0  }
0x12: {  	s1 =	sld [smem:$0x3F9B];
	s0 =	simm.s32 @p0 $0x1  }
0x13: {  	[smem:$0x3FB6] =	sst s0;
	s0 =	simm.s32 @!p1 $0x0  }
0x14: {  	s2 =	sld [smem:$0x3F9A];
	s0 =	simm.s32 @p1 $0x1  }
0x15: {  	[smem:$0x3FB7] =	sst s0;
	s0 =	simm.s32 @!p2 $0x0  }
0x16: {  	s3 =	sld [smem:$0x3FDB];
	s0 =	simm.s32 @p2 $0x1  }
0x17: {  	s4 =	simm.s32 $0x1BF5;
	[smem:$0x3FB9] =	sst s0  }
0x18: {  	s0 =	sld [smem:$0x3F9C];
	_ =	swait.ge [sflag:s4], $0x0  }
0x19: {  	s7 =	sld [smem:$0x3F9D]  }
0x1a: {  	s8 =	sadd.s32 $0xFFFFE003, lr  }
0x1b: {  	s9 =	sadd.s32 $0xFFFFFEF7, lr;
	s5 =	simm.s32 $0xFFFFFFFF;
	p2 =	slt.u32 s8, $0xFFFFF086  }
0x1c: {  	p1 =	slt.u32 s9, $0xF7A;
	s5 =	simm.s32 @!p2 $0x0  }
0x1d: {  	s5 =	simm.s32 @p1 $0x1;
	p0 =	seq.s32 s7, s2  }
0x1e: {  	s7 =	smul.u32 @!p0 $0xF7A, s2;
	p2 =	seq.s32 @!p0 s5, $0x0  }
0x1f: {  	s9 =	smul.u32 $0xF7A, s1;
	s8 =	simm.s32 @!p0 $0x1BF5;
	p2 =	por !p2, p0  }
0x20: {  	[sflag:s8] =	ssyncset.s32 @!p0 $0xFFFFF086;
	s6 =	sadd.s32 @!p0 s3, s7;
	s7 =	simm.s32 @!p0 $0x108  }
0x21: {  	s3 =	sadd.s32 s3, s9;
	s6 =	sadd.s32 @!p0 $0x88, s6;
	s7 =	simm.s32 @p2 $0x1082  }
0x22: {  	[simem:s7], [sflag:s8] =	dma.local @!p0 [hbm:s6], $0xF7A  }
0x23: {  	s9 =	sor.u32 $0xD0000000, s2;
	s6 =	simm.s32 $0x108;
	_ =	swait.ge @!p0 [sflag:s8], $0x0  }
0x24: {  	s3 =	sadd.s32 $0x88, s3;
	s6 =	simm.s32 @!p1 $0x1082;
	[sflag:s4] =	ssyncset.s32 $0xFFFFF086  }
0x25: {  	[simem:s6], [sflag:s4] =	dma.local [hbm:s3], $0xF7A  }
0x26: {  	[smem:$0x3F9D] =	sst s1;
	(tag) =	ssettag s2;
	_ =	strace s9  }
0x27: {  	s1 =	sld [smem:$0x3FAD]  }
0x28: {  	s2 =	sld [smem:$0x3FAE]  }
0x29: {  	s4 =	sld [smem:$0x3FB0]  }
0x2a: {  	p0 =	seq.s32 s5, $0x0;
	s5 =	sld [smem:$0x3FB1]  }
0x2b: {  	s6 =	sld [smem:$0x3FB2]  }
0x2c: {  	s7 =	sld [smem:$0x3FB3]  }
0x2d: {  	s3 =	simm.s32 $0x108;
	s8 =	sld [smem:$0x3FB4]  }
0x2e: {  	s3 =	simm.s32 @!p0 $0x1082;
	s9 =	sld [smem:$0x3FB5]  }
0x2f: {  	lr =	sadd.s32 s0, s3;
	s0 =	sld [smem:$0x3FAC]  }
0x30: {  	s3 =	sld [smem:$0x3FAF]  }
0x31: {  	[smem:$0x3FB8] =	sst s10  }
0x32: {  	s10 =	sld [smem:$0x3FB6];
	_ =	sdelay $0x3  }
0x33: {  	p0 =	seq.s32 s10, $0x1;
	s10 =	sld [smem:$0x3FB8];
	_ =	sdelay $0x3  }
0x34: {  	[smem:$0x3FB8] =	sst s10  }
0x35: {  	s10 =	sld [smem:$0x3FB7];
	_ =	sdelay $0x3  }
0x36: {  	p1 =	seq.s32 s10, $0x1;
	s10 =	sld [smem:$0x3FB8];
	_ =	sdelay $0x3  }
0x37: {  	[smem:$0x3FB8] =	sst s10  }
0x38: {  	s10 =	sld [smem:$0x3FB9]  }
0x39: {  	_ = 	snop;
	(pc) =	sbr.ind lr, $3  }
0x3a: {  	_ = 	snop  }
0x3b: {  	_ = 	snop  }
0x3c: {  	p2 =	seq.s32 s10, $0x1;
	s10 =	sld [smem:$0x3FB8]  }
0x3d: {  	_ =	shalt  }
0x3e: {  	_ =	shalt  }
0x3f: {  	_ =	shalt  }
0x40: {  	_ =	shalt  }
0x41: {  	_ =	shalt  }
0x42: {  	_ =	shalt  }
0x43: {  	_ =	shalt  }
0x44: {  	_ =	shalt  }
0x45: {  	_ =	shalt  }
0x46: {  	_ =	shalt  }
0x47: {  	_ =	shalt  }
0x48: {  	_ =	shalt  }
0x49: {  	_ =	shalt  }
0x4a: {  	_ =	shalt  }
0x4b: {  	_ =	shalt  }
0x4c: {  	_ =	shalt  }
0x4d: {  	_ =	shalt  }
0x4e: {  	_ =	shalt  }
0x4f: {  	_ =	shalt  }
0x50: {  	_ =	shalt  }
0x51: {  	_ =	shalt  }
0x52: {  	_ =	shalt  }
0x53: {  	_ =	shalt  }
0x54: {  	_ =	shalt  }
0x55: {  	_ =	shalt  }
0x56: {  	_ =	shalt  }
0x57: {  	_ =	shalt  }
0x58: {  	_ =	shalt  }
0x59: {  	_ =	shalt  }
0x5a: {  	_ =	shalt  }
0x5b: {  	_ =	shalt  }
0x5c: {  	_ =	shalt  }
0x5d: {  	_ =	shalt  }
0x5e: {  	_ =	shalt  }
0x5f: {  	_ =	shalt  }
0x60: {  	_ =	shalt  }
0x61: {  	_ =	shalt  }
0x62: {  	_ =	shalt  }
0x63: {  	_ =	shalt  }
0x64: {  	_ =	shalt  }
0x65: {  	_ =	shalt  }
0x66: {  	_ =	shalt  }
0x67: {  	_ =	shalt  }
0x68: {  	_ =	shalt  }
0x69: {  	_ =	shalt  }
0x6a: {  	_ =	shalt  }
0x6b: {  	_ =	shalt  }
0x6c: {  	_ =	shalt  }
0x6d: {  	_ =	shalt  }
0x6e: {  	_ =	shalt  }
0x6f: {  	_ =	shalt  }
0x70: {  	_ =	shalt  }
0x71: {  	_ =	shalt  }
0x72: {  	_ =	shalt  }
0x73: {  	_ =	shalt  }
0x74: {  	_ =	shalt  }
0x75: {  	_ =	shalt  }
0x76: {  	_ =	shalt  }
0x77: {  	_ =	shalt  }
0x78: {  	_ =	shalt  }
0x79: {  	_ =	shalt  }
0x7a: {  	_ =	shalt  }
0x7b: {  	_ =	shalt  }
0x7c: {  	_ =	shalt  }
0x7d: {  	_ =	shalt  }
0x7e: {  	_ =	shalt  }
0x7f: {  	_ =	shalt  }
0x80: {  	_ =	shalt  }
0x81: {  	_ =	shalt  }
0x82: {  	_ =	shalt  }
0x83: {  	_ =	shalt  }
0x84: {  	_ =	shalt  }
0x85: {  	_ =	shalt  }
0x86: {  	_ =	shalt  }
0x87: {  	_ =	shalt  }
.Lfunc_end0:
.L_simem_size_0:
called_computation_lowered:
.L_overlay_start_0:
0x88: {  	s2 =	sld [smem:$0x3FD9]  }
0x89: {  	s3 =	sld [smem:$0x3FFE];
	_ =	sdelay $0x1  }
0x8a: {  	s1 =	srdreg.scid  }
0x8b: {  	s0 =	sand.u32 $0x1, s1  }
0x8c: {  	s17 =	sshll.u32 s0, $0xA;
	s2 =	sadd.s32 s3, s2  }
0x8d: {  	s2 =	sadd.s32 s2, s17  }
0x8e: {  	[smem:$0x3FC4] =	sst s2  }
0x8f: {  	_ = 	snop  }
0x90: {  	s2 =	sld [smem:$0x3FD0];
	(tm) =	ssettm $0x1  }
0x91: {  	s18 =	sld [smem:$0x3FFB];
	_ =	sdelay $0x3  }
0x92: {  	_ =	strace s18  }
0x93: {  	s3 =	sld [smem:$0x3FFC];
	_ =	sdelay $0x3  }
0x94: {  	_ =	strace s3  }
0x95: {  	s3 =	sld [smem:$0x3FFD];
	_ =	sdelay $0x3  }
0x96: {  	_ =	strace s3  }
0x97: {  	_ =	strace $0x8FFFFFFF  }
0x98: {  	s19 =	sld [smem:$0x3FDB];
	_ =	sdelay $0x1  }
0x99: {  	s4 =	simm.s32 $_scs_section_size  }
0x9a: {  	s5 =	simm.s32 $_size__tile_overlayer_lowered;
	s6 =	simm.s32 $_tile_overlayer_lowered  }
0x9b: {  	s22 =	simm.s32 $0x1BFF;
	s21 =	sshll.u32 s6, $0x1;
	s3 =	sadd.s32 s4, s19  }
0x9c: {  	s7 =	simm.s32 $0x0;
	s20 =	sshll.u32 s5, $0x1;
	s5 =	sadd.s32 s21, s3  }
0x9d: {  	[timem:s7], [sflag:s22] =	dma.local [hbm:s5], s20  }
0x9e: {  	_ =	swait.ge [sflag:s22], s20  }
0x9f: {  	s4 =	ssub.s32 $0x0, s20;
	[sflag:s22] =	ssyncset.done $0x0  }
0xa0: {  	[sflag:s22] =	ssyncadd.s32 s4;
	_ =	sdelay $0x1  }
0xa1: {  	s23 =	simm.s32 $0x1B8B  }
0xa2: {  	_ =	swait.ge [sflag:s23], $0x1  }
0xa3: {  	[sflag:s23] =	ssyncset.done $0x0  }
0xa4: {  	s25 =	simm.s32 $0x1B8E;
	s24 =	sld [smem:$0x3FFE];
	[sflag:s23] =	ssyncadd.s32 $0xFFFFFFFF  }
0xa5: {  	s26 =	simm.s32 $execute0_lowered;
	[smem:$0x3FD2] =	sst s25  }
0xa6: {  	s5 =	sshll.u32 s26, $0x1;
	_ =	strace $0x80000046;
	[dreg:$0x1] =	wrdreg $0xFFFFFFFF  }
0xa7: {  	s28 =	simm.s32 $_size_execute0_lowered;
	s3 =	sadd.s32 s3, s5;
	[dreg:$0x0] =	wrdreg $0x0  }
0xa8: {  	s5 =	sshll.u32 s28, $0x1;
	[dreg:$0x2] =	wrdreg s3  }
0xa9: {  	[dreg:$0x3] =	wrdreg s5  }
0xaa: {  	[dreg:$0x4] =	wrdreg $0xC0  }
0xab: {  	_ =	task [dreg:s7], $0x5FFFF  }
0xac: {  	[dreg:$0x1] =	wrdreg $0xFFFFFFFF  }
0xad: {  	[dreg:$0x0] =	wrdreg $0x60  }
0xae: {  	[dreg:$0x2] =	wrdreg s2  }
0xaf: {  	[dreg:$0x3] =	wrdreg s24  }
0xb0: {  	[dreg:$0x4] =	wrdreg $0x120000  }
0xb1: {  	[dreg:$0x5] =	wrdreg $0x9  }
0xb2: {  	_ =	task.clear_ibuf [dreg:s7], $0x6FFFF;
	_ =	strace $0x90000046  }
0xb3: {  	s29 =	simm.s32 $0x9;
	_ =	strace $0x80000048  }
0xb4: {  	_ =	swait.ge [sflag:s29], $0x1  }
0xb5: {  	[sflag:s29] =	ssyncadd.s32 $0xFFFFFFFF  }
0xb6: {  	_ =	strace $0x90000048  }
0xb7: {  	_ =	sfence  }
0xb8: {  	s30 =	sld [smem:$0x0];
	_ =	sdelay $0x2  }
0xb9: {  	s31 =	sshll.u32 s1, $0xD;
	s1 =	sshrl.u32 s1, $0x2  }
0xba: {  	s3 =	sand.u32 $0x4000, s31;
	s1 =	sadd.s32 s1, s30  }
0xbb: {  	s0 =	sor.u32 s3, s0;
	s1 =	sshll.u32 s1, $0x11  }
0xbc: {  	s0 =	sor.u32 s1, s0  }
0xbd: {  	s0 =	sadd.s32 $0x8F2B, s0  }
0xbe: {  	[sflag:s0] =	ssyncadd.remote.s32 $0x1  }
0xbf: {  	_ =	sfence.sel $0xFFFF  }
0xc0: {  	[dreg:$0x0] =	wrdreg $0xFFFFFFFF;
	(pc) =	sbr.abs _section_cstart, $3  }
0xc1: {  	[dreg:$0x1] =	wrdreg $0xFFFFFFFF  }
0xc2: {  	_ =	task.clear_ibuf [dreg:s7], $0x2FFFF;
	_ =	strace $0x9FFFFFFF  }
0xc3: {  	(tm) =	ssettm $0x7FFFFFFF  }
tec
execute0_lowered:
.L_overlay_start_1:
0x0: {  	(tag) =	ssettag $0x1  }
0x1: {  	s0 =	rddreg [dreg:$0x0]  }
0x2: {  	s5 =	rddreg [dreg:$0x1];
	s1 =	srdreg.scid  }
0x3: {  	s3 =	rddreg [dreg:$0x2];
	s2 =	stileid.u32  }
0x4: {  	s4 =	simm.s32 $0x0;
	s13 =	simm.s32 $0x5000;
	s14 =	simm.s32 $0xA000  }
0x5: {  	s15 =	simm.s32 $0x80;
	s16 =	simm.s32 $0x1;
	s17 =	simm.s32 $0xE000  }
0x6: {  	s18 =	simm.s32 $0x2;
	s19 =	simm.s32 $0x4F80;
	s8 =	smul.u32 $0xA000, s2  }
0x7: {  	s21 =	simm.s32 $0x9F80;
	s22 =	simm.s32 $0x0;
	s9 =	smul.u32 $0xA00, s2  }
0x8: {  	s7 =	sand.u32 $0x1, s1;
	[smem:$0x7FF] =	sst s4;
	s10 =	smul.u32 $0x28000, s2  }
0x9: {  	s1 =	rddreg [dreg:$0x3];
	s6 =	smul.u32 $0xA0000, s7;
	_ =	strace $0x80000047  }
0xa: {  	s29 =	ssub.s32 $0x2, s7;
	s20 =	smul.u32 $0x1388, s7;
	s9 =	sadd.s32 s9, s5  }
0xb: {  	s30 =	sshrl.u32 s29, $0x1;
	s31 =	sshrl.u32 s10, $0x2;
	s6 =	sadd.s32 s8, s6  }
0xc: {  	s12 =	ssub.s32 s29, s30;
	s7 =	sadd.s32 s31, s3;
	s6 =	sshrl.u32 s6, $0x3  }
0xd: {  	v0 =	vmov s20;
	s20 =	simm.s32 $0x9F00;
	s8 =	sadd.s32 $0x4000, s7;
	s11 =	sadd.s32 s6, s5  }
0xe: {  	s5 =	sadd.s32 $0xA600, s9;
	s6 =	sadd.s32 $0x600, s9;
	s9 =	sadd.s32 $0x8000, s7  }
0xf: {  	v1 =	vimm.f32 $0.0e+00;
	s10 =	sadd.s32 $0x14600, s11;
	s11 =	smax.u32 s12, $0x1;
	s12 =	simm.s32 $0x3  }
.LBB2_1:
0x10: {  	[tilespmem:s4], [sflag:$0x3] =	stream.linear.gather [hbm4b:s5+s4], $0x5000, $0x38;
	[tilespmem:$0x1C000] =	vst v63  }
0x11: {  	_ =	swait.ge [sflag:s12], $0x5000  }
0x12: {  	[sflag:s12] =	ssyncset.done $0x0  }
0x13: {  	[sflag:s12] =	ssyncadd.s32 $0xFFFFB000  }
0x14: {  	[tilespmem:s13], [sflag:$0x3] =	stream.linear.gather [hbm4b:s6+s4], $0x5000, $0x38;
	[tilespmem:$0x1C000] =	vst v63  }
0x15: {  	_ =	swait.ge [sflag:s12], $0x5000  }
0x16: {  	[sflag:s12] =	ssyncset.done $0x0  }
0x17: {  	s23 =	simm.s32 $0x0;
	[sflag:s12] =	ssyncadd.s32 $0xFFFFB000  }
0x18: {  	v3 =	vld [tilespmem:s23+$0x5000]  }
0x19: {  	v4 =	vld [tilespmem:s23+$0x5010]  }
0x1a: {  	v6 =	vld [tilespmem:s23+$0x5020]  }
0x1b: {  	v5 =	vld [tilespmem:s23+$0x5030]  }
0x1c: {  	v2 =	vld [tilespmem:s23+$0x5040]  }
0x1d: {  	v7 =	vsub.s32 v3, v0;
	v3 =	vld [tilespmem:s23+$0x5050]  }
0x1e: {  	s24 =	simm.s32 $0x200;
	v8 =	vsub.s32 v4, v0;
	v4 =	vld [tilespmem:s23+$0x5060];
	v7 =	vmin.u32 v7, $0x1388  }
.LBB2_2:
0x1f: {  	s25 =	sshra.s32 s24, $0x2;
	p0 =	sne.s32 s24, $0x13E00;
	[tilespmem:s23+$0x5000] =	vst v7;
	v7 =	vmin.u32 v8, $0x1388;
	v6 =	vsub.s32 v6, v0;
	v8 =	vld [tilespmem:s23+$0x5070]  }
0x20: {  	v9 =	vld [tilespmem:s25+$0x5000];
	[tilespmem:s23+$0x5010] =	vst v7;
	v6 =	vmin.u32 v6, $0x1388;
	v5 =	vsub.s32 v5, v0  }
0x21: {  	v10 =	vld [tilespmem:s25+$0x5010];
	[tilespmem:s23+$0x5020] =	vst v6;
	v5 =	vmin.u32 v5, $0x1388;
	v2 =	vsub.s32 v2, v0  }
.Ltmp0:
0x22: {  	v6 =	vld [tilespmem:s25+$0x5020];
	[tilespmem:s23+$0x5030] =	vst v5;
	v2 =	vmin.u32 v2, $0x1388;
	v3 =	vsub.s32 v3, v0;
	(pc) =	sbr.rel @p0 .LBB2_2-.Ltmp0, $4  }
0x23: {  	v5 =	vld [tilespmem:s25+$0x5030];
	[tilespmem:s23+$0x5040] =	vst v2;
	v3 =	vmin.u32 v3, $0x1388;
	v4 =	vsub.s32 v4, v0  }
0x24: {  	v2 =	vld [tilespmem:s25+$0x5040];
	[tilespmem:s23+$0x5050] =	vst v3;
	v4 =	vmin.u32 v4, $0x1388;
	v7 =	vsub.s32 v8, v0  }
0x25: {  	v8 =	vsub.s32 v9, v0;
	v3 =	vld [tilespmem:s25+$0x5050];
	[tilespmem:s23+$0x5060] =	vst v4;
	v9 =	vmin.u32 v7, $0x1388  }
0x26: {  	s24 =	sadd.s32 $0x200, s24;
	v7 =	vmin.u32 v8, $0x1388;
	v8 =	vsub.s32 v10, v0;
	v4 =	vld [tilespmem:s25+$0x5060];
	[tilespmem:s23+$0x5070] =	vst v9;
	s23 =	smov.u32 s25  }
0x27: {  	[tilespmem:s23+$0x5000] =	vst v7;
	v62 =	vmin.u32 v8, $0x1388;
	v6 =	vsub.s32 v6, v0;
	v63 =	vld [tilespmem:s23+$0x5070]  }
0x28: {  	[tilespmem:s23+$0x5010] =	vst v62;
	v6 =	vmin.u32 v6, $0x1388;
	v5 =	vsub.s32 v5, v0  }
0x29: {  	[tilespmem:s23+$0x5020] =	vst v6;
	v5 =	vmin.u32 v5, $0x1388;
	v2 =	vsub.s32 v2, v0  }
0x2a: {  	[tilespmem:s23+$0x5030] =	vst v5;
	v2 =	vmin.u32 v2, $0x1388;
	v3 =	vsub.s32 v3, v0  }
0x2b: {  	[tilespmem:s23+$0x5040] =	vst v2;
	v2 =	vmin.u32 v3, $0x1388;
	v3 =	vsub.s32 v4, v0  }
0x2c: {  	[tilespmem:s23+$0x5050] =	vst v2;
	v2 =	vmin.u32 v3, $0x1388;
	v3 =	vsub.s32 v63, v0  }
0x2d: {  	[tilespmem:s23+$0x5060] =	vst v2;
	v2 =	vmin.u32 v3, $0x1388  }
0x2e: {  	s24 =	simm.s32 $0x200;
	[tilespmem:s23+$0x5070] =	vst v2;
	s23 =	simm.s32 $0x0  }
.LBB2_4:
0x2f: {  	p0 =	sne.s32 s24, $0xFE00;
	[tilespmem:s23+$0xA070] =	vst v1  }
0x30: {  	[tilespmem:s23+$0xA000] =	vst v1  }
0x31: {  	[tilespmem:s23+$0xA010] =	vst v1  }
.Ltmp1:
0x32: {  	[tilespmem:s23+$0xA020] =	vst v1;
	(pc) =	sbr.rel @p0 .LBB2_4-.Ltmp1, $4  }
0x33: {  	[tilespmem:s23+$0xA030] =	vst v1  }
0x34: {  	[tilespmem:s23+$0xA040] =	vst v1  }
0x35: {  	[tilespmem:s23+$0xA050] =	vst v1  }
0x36: {  	[tilespmem:s23+$0xA060] =	vst v1;
	s23 =	sshra.s32 s24, $0x2;
	s24 =	sadd.s32 $0x200, s24  }
0x37: {  	[tilespmem:s23+$0xA070] =	vst v1  }
0x38: {  	[tilespmem:s23+$0xA000] =	vst v1  }
0x39: {  	[tilespmem:s23+$0xA010] =	vst v1  }
0x3a: {  	[tilespmem:s23+$0xA020] =	vst v1  }
0x3b: {  	[tilespmem:s23+$0xA030] =	vst v1  }
0x3c: {  	[tilespmem:s23+$0xA040] =	vst v1  }
0x3d: {  	[tilespmem:s23+$0xA050] =	vst v1  }
0x3e: {  	[tilespmem:s23+$0xA060] =	vst v1  }
0x3f: {  	[spmem:s7] =	stream.linear.scatter [tilespmem:s14], [sflag:$0x3], $0x4000, $0x38;
	[tilespmem:$0x1C000] =	vst v63  }
0x40: {  	_ =	swait.ge [sflag:s12], $0x4000  }
0x41: {  	[sflag:s12] =	ssyncset.done $0x0  }
0x42: {  	[sflag:s12] =	ssyncadd.s32 $0xFFFFC000  }
0x43: {  	[spmem:s8] =	stream.linear.scatter [tilespmem:s14], [sflag:$0x3], $0x4000, $0x38;
	[tilespmem:$0x1C000] =	vst v63  }
0x44: {  	_ =	swait.ge [sflag:s12], $0x4000  }
0x45: {  	[sflag:s12] =	ssyncset.done $0x0  }
0x46: {  	[sflag:s12] =	ssyncadd.s32 $0xFFFFC000  }
0x47: {  	[spmem:s9] =	stream.linear.scatter [tilespmem:s14], [sflag:$0x3], $0x2000, $0x38;
	[tilespmem:$0x1C000] =	vst v63  }
0x48: {  	_ =	swait.ge [sflag:s12], $0x2000  }
0x49: {  	[sflag:s12] =	ssyncset.done $0x0  }
0x4a: {  	[sflag:s12] =	ssyncadd.s32 $0xFFFFE000  }
0x4b: {  	s26 =	simm.s32 $0x0;
	[bflag:$0x0] =	sbarrier.arrive $0xFFFF  }
0x4c: {  	[tilespmem:s14], [sflag:$0x1] =	stream.indirect.gather [hbm4b:s0+s15], $0x80, s26, s15, $0xb8;
	[tilespmem:$0x1C000] =	vst v63  }
0x4d: {  	_ =	swait.ge [sflag:s16], $0x4000  }
0x4e: {  	[sflag:s16] =	ssyncset.done $0x0  }
0x4f: {  	s28 =	simm.s32 $0x80;
	[sflag:s16] =	ssyncadd.s32 $0xFFFFC000  }
0x50: {  	[tilespmem:s17], [sflag:$0x2] =	stream.indirect.gather [hbm4b:s0+s15], $0x80, s28, s15, $0xb8;
	[tilespmem:$0x1C000] =	vst v63  }
0x51: {  	s29 =	simm.s32 $0x5000  }
0x52: {  	[spmem:s3] =	stream.indirect.scatter.add.f32 [tilespmem:s14], [sflag:$0x3], $0x80, s29, s15, $0xb8;
	[tilespmem:$0x1C000] =	vst v63  }
0x53: {  	_ =	swait.ge [sflag:s12], $0x4000  }
0x54: {  	[sflag:s12] =	ssyncset.done $0x0  }
0x55: {  	[sflag:s12] =	ssyncadd.s32 $0xFFFFC000  }
0x56: {  	_ =	swait.ge [sflag:s18], $0x4000  }
0x57: {  	[sflag:s18] =	ssyncset.done $0x0  }
0x58: {  	s30 =	simm.s32 $0x100;
	[sflag:s18] =	ssyncadd.s32 $0xFFFFC000  }
0x59: {  	[tilespmem:s14], [sflag:$0x1] =	stream.indirect.gather [hbm4b:s0+s15], $0x80, s30, s15, $0xb8;
	[tilespmem:$0x1C000] =	vst v63  }
0x5a: {  	s31 =	simm.s32 $0x5080  }
0x5b: {  	[spmem:s3] =	stream.indirect.scatter.add.f32 [tilespmem:s17], [sflag:$0x3], $0x80, s31, s15, $0xb8;
	[tilespmem:$0x1C000] =	vst v63  }
0x5c: {  	_ =	swait.ge [sflag:s12], $0x4000  }
0x5d: {  	s23 =	simm.s32 $0x400;
	[sflag:s12] =	ssyncset.done $0x0  }
.LBB2_6:
0x5e: {  	p0 =	sne.s32 s23, $0x13800  }
0x5f: {  	[sflag:s12] =	ssyncadd.s32 $0xFFFFC000;
	s24 =	smov.u32 s23;
	s23 =	sadd.s32 $0x400, s23  }
0x60: {  	_ = 	snop  }
0x61: {  	_ =	swait.ge [sflag:s16], $0x4000  }
0x62: {  	s24 =	sshra.s32 s24, $0x2;
	[sflag:s16] =	ssyncset.done $0x0  }
0x63: {  	s25 =	sadd.s32 $0x80, s24;
	[sflag:s16] =	ssyncadd.s32 $0xFFFFC000  }
0x64: {  	[tilespmem:s17], [sflag:$0x2] =	stream.indirect.gather [hbm4b:s0+s15], $0x80, s25, s15, $0xb8;
	[tilespmem:$0x1C000] =	vst v63  }
0x65: {  	s25 =	sadd.s32 $0x5000, s24  }
0x66: {  	[spmem:s3] =	stream.indirect.scatter.add.f32 [tilespmem:s14], [sflag:$0x3], $0x80, s25, s15, $0xb8;
	[tilespmem:$0x1C000] =	vst v63  }
0x67: {  	_ =	swait.ge [sflag:s12], $0x4000  }
0x68: {  	[sflag:s12] =	ssyncset.done $0x0  }
0x69: {  	[sflag:s12] =	ssyncadd.s32 $0xFFFFC000  }
0x6a: {  	_ =	swait.ge [sflag:s18], $0x4000  }
0x6b: {  	[sflag:s18] =	ssyncset.done $0x0  }
0x6c: {  	s25 =	sadd.s32 $0x100, s24;
	[sflag:s18] =	ssyncadd.s32 $0xFFFFC000  }
0x6d: {  	[tilespmem:s14], [sflag:$0x1] =	stream.indirect.gather [hbm4b:s0+s15], $0x80, s25, s15, $0xb8;
	[tilespmem:$0x1C000] =	vst v63  }
.Ltmp2:
0x6e: {  	_ = 	snop;
	(pc) =	sbr.rel @p0 .LBB2_6-.Ltmp2, $4  }
0x6f: {  	s24 =	sadd.s32 $0x5080, s24  }
0x70: {  	[spmem:s3] =	stream.indirect.scatter.add.f32 [tilespmem:s17], [sflag:$0x3], $0x80, s24, s15, $0xb8;
	[tilespmem:$0x1C000] =	vst v63  }
0x71: {  	_ =	swait.ge [sflag:s12], $0x4000  }
0x72: {  	[sflag:s12] =	ssyncset.done $0x0  }
0x73: {  	[sflag:s12] =	ssyncadd.s32 $0xFFFFC000  }
0x74: {  	_ =	swait.ge [sflag:s16], $0x4000  }
0x75: {  	[sflag:s16] =	ssyncset.done $0x0  }
0x76: {  	[sflag:s16] =	ssyncadd.s32 $0xFFFFC000  }
0x77: {  	[tilespmem:s17], [sflag:$0x2] =	stream.indirect.gather [hbm4b:s0+s15], $0x80, s19, s15, $0xb8;
	[tilespmem:$0x1C000] =	vst v63  }
0x78: {  	_ = 	snop  }
0x79: {  	[spmem:s3] =	stream.indirect.scatter.add.f32 [tilespmem:s14], [sflag:$0x3], $0x80, s20, s15, $0xb8;
	[tilespmem:$0x1C000] =	vst v63  }
0x7a: {  	_ =	swait.ge [sflag:s12], $0x4000  }
0x7b: {  	[sflag:s12] =	ssyncset.done $0x0  }
0x7c: {  	[sflag:s12] =	ssyncadd.s32 $0xFFFFC000  }
0x7d: {  	_ =	swait.ge [sflag:s18], $0x4000  }
0x7e: {  	[sflag:s18] =	ssyncset.done $0x0  }
0x7f: {  	[sflag:s18] =	ssyncadd.s32 $0xFFFFC000  }
0x80: {  	[tilespmem:s14], [sflag:$0x1] =	stream.indirect.gather [hbm4b:s0+s15], $0x80, s4, s15, $0xb8;
	[tilespmem:$0x1C000] =	vst v63  }
0x81: {  	_ = 	snop  }
0x82: {  	[spmem:s3] =	stream.indirect.scatter.add.f32 [tilespmem:s17], [sflag:$0x3], $0x80, s21, s15, $0xb8;
	[tilespmem:$0x1C000] =	vst v63  }
0x83: {  	_ =	swait.ge [sflag:s12], $0x4000  }
0x84: {  	[sflag:s12] =	ssyncset.done $0x0  }
0x85: {  	[sflag:s12] =	ssyncadd.s32 $0xFFFFC000  }
0x86: {  	_ =	swait.ge [sflag:s16], $0x4000  }
0x87: {  	s23 =	sshll.u32 s2, $0x6;
	s22 =	sadd.s32 $0x1, s22;
	[sflag:s16] =	ssyncset.done $0x0  }
0x88: {  	s24 =	sshrl.u32 s7, $0x3;
	p0 =	sne.s32 s22, s11;
	[sflag:s16] =	ssyncadd.s32 $0xFFFFC000  }
.Ltmp3:
0x89: {  	s23 =	sor.u32 $0x1C03, s23;
	[bflag:$0x0] =	sbarrier.arrive $0xFFFF;
	(pc) =	sbr.rel @p0 .LBB2_1-.Ltmp3, $4  }
0x8a: {  	[hbm:s10], [sflag:s23] =	dma.local [spmem:s24], $0x1400  }
0x8b: {  	_ =	swait.ge [sflag:s12], $0x1400  }
0x8c: {  	[sflag:s12] =	ssyncset.done $0x0  }
0x8d: {  	[sflag:s12] =	ssyncadd.s32 $0xFFFFEC00  }
0x8e: {  	_ =	sfence.sel $0x180000  }
0x8f: {  	[bflag:$0x0] =	sbarrier.arrive $0xFFFF  }
0x90: {  	p0 =	sne.s32 s2, $0x0;
	_ =	strace $0x90000047  }
0x91: {  	s0 =	sadd.s32 @!p0 $0x100000, s1;
	[bflag:$0x2] =	sbarrier.arrive $0xFFFF  }
0x92: {  	[sflag:s0] =	ssyncadd.tile.s32 @!p0 $0x1;
	_ =	shalt  }
.Lfunc_end2:
_tile_overlayer_lowered:
.L_overlay_start_2:
0x93: {  	(tag) =	ssettag $0x2  }
0x94: {  	s0 =	rddreg [dreg:$0x0];
	s2 =	stileid.u32  }
0x95: {  	s1 =	rddreg [dreg:$0x1];
	p0 =	sne.s32 s2, $0x0  }
0x96: {  	s3 =	rddreg [dreg:$0x2];
	[bflag:$0x3] =	sbarrier.arrive $0xFFFF;
	s2 =	simm.s32 @!p0 $0x1C03  }
0x97: {  	[timem:s3], [sflag:s2] =	dma.local @!p0 [hbm:s0], s1  }
0x98: {  	s0 =	simm.s32 @!p0 $0x3  }
0x99: {  	_ =	swait.ge @!p0 [sflag:s0], s1  }
0x9a: {  	s1 =	ssub.s32 @!p0 $0x0, s1;
	[sflag:s0] =	ssyncset.done @!p0 $0x0  }
0x9b: {  	[sflag:s0] =	ssyncadd.s32 @!p0 s1  }
0x9c: {  	[bflag:$0x3] =	sbarrier.arrive $0xFFFF  }
0x9d: {  	_ =	shalt  }

</sc_bundles>
